<compile_context>
chip_gen: v7x
topology: tpu7x:2x2x1
jax: 0.10.2.dev20260603
libtpu: 0.0.44.dev20260713+nightly
codegen_flags: <defaults>
</compile_context>

<pallas_src>
import jax
import jax.numpy as jnp
from jax import lax
from jax.experimental import pallas as pl
from jax.experimental.pallas import tpu as pltpu
from jax.experimental.pallas import tpu_sc as plsc

_N = 16 * 512 * 512
_NW = 32
_ROWS = _N // 128
_TROWS = _ROWS // _NW
_CROWS = 64
_NCHUNK = _TROWS // _CROWS
_B = 2048
_INVW = 128.0
_S = 2 * (_B + 1) + 1
_DEAD1_LO = _B + 1 + _B
_RU = 2


def _tc_pack(lg_ref, tg_ref, out_ref):
    lg = lg_ref[...]
    tg = tg_ref[...]
    e = jnp.where(tg > 0, 1.0 - lg, 1.0 + lg)
    idx = jnp.minimum(e * _INVW, float(_B - 1)).astype(jnp.int32)
    idx = jnp.where(e > 0.0, idx, _B)
    z = tg * (_B + 1) + idx
    out_ref[...] = z.reshape(2048, 128)


def _pack(logits, targets):
    return pl.pallas_call(
        _tc_pack,
        grid=(16,),
        in_specs=[
            pl.BlockSpec((1, 512, 512), lambda i: (i, 0, 0)),
            pl.BlockSpec((1, 512, 512), lambda i: (i, 0, 0)),
        ],
        out_specs=pl.BlockSpec((2048, 128), lambda i: (i, 0)),
        out_shape=jax.ShapeDtypeStruct((_ROWS, 128), jnp.int32),
    )(logits, targets)


def _sc_hist(z_hbm, cnt_out, zb0, zb1, cnt_v, sem0, sem1):
    wid = lax.axis_index("s") * 2 + lax.axis_index("c")
    lane = lax.iota(jnp.int32, 16)
    zeros = jnp.zeros((16,), jnp.float32)
    ones = jnp.ones((16,), jnp.float32)

    def zero_body(i, carry):
        for r in range(16):
            cnt_v[r, pl.ds(i * 16, 16)] = zeros
        return carry

    lax.fori_loop(0, _S // 16, zero_body, 0)
    for r in range(16):
        cnt_v[r, pl.ds(_S - 16, 16)] = zeros

    base = wid * _TROWS

    def start(g, zb, sem):
        pltpu.async_copy(z_hbm.at[pl.ds(base + g * _CROWS, _CROWS)], zb, sem)

    def wait(zb, sem):
        pltpu.make_async_copy(z_hbm.at[pl.ds(0, _CROWS)], zb, sem).wait()

    def process(zb, carry):
        def vec_body(j, c2):
            idxs = []
            for r in range(_RU):
                for cg in range(128 // 16):
                    idxs.append(zb[j * _RU + r, pl.ds(cg * 16, 16)])
            for z in idxs:
                plsc.addupdate_scatter(cnt_v, [lane, z], ones)
            return c2

        return lax.fori_loop(0, _CROWS // _RU, vec_body, carry)

    start(0, zb0, sem0)
    acc = 0

    def chunk_body(h, carry):
        g0 = h * 2
        start(g0 + 1, zb1, sem1)
        wait(zb0, sem0)
        carry = process(zb0, carry)
        start(jnp.minimum(g0 + 2, _NCHUNK - 1), zb0, sem0)
        wait(zb1, sem1)
        carry = process(zb1, carry)
        return carry

    acc = lax.fori_loop(0, _NCHUNK // 2, chunk_body, acc)
    wait(zb0, sem0)

    pltpu.sync_copy(cnt_v, cnt_out.at[wid])


_sc_call = pl.kernel(
    _sc_hist,
    out_type=jax.ShapeDtypeStruct((_NW, 16, _S), jnp.float32),
    mesh=plsc.VectorSubcoreMesh(core_axis_name="c", subcore_axis_name="s"),
    scratch_types=(
        pltpu.VMEM((_CROWS, 128), jnp.int32),
        pltpu.VMEM((_CROWS, 128), jnp.int32),
        pltpu.VMEM((16, _S), jnp.float32),
        pltpu.SemaphoreType.DMA,
        pltpu.SemaphoreType.DMA,
    ),
    compiler_params=pltpu.CompilerParams(
        use_tc_tiling_on_sc=False, needs_layout_passes=False),
)


def _tc_final(cnt_ref, out_ref):
    c = jnp.sum(cnt_ref[...], axis=0, keepdims=True)
    n0r = c[:, 0:_B]
    n1r = c[:, _B + 1:2 * _B + 1]
    P = jnp.sum(c[:, _B + 1:_DEAD1_LO + 1])
    S0 = jnp.sum(n0r)
    S1 = jnp.sum(n1r)
    centers = (lax.broadcasted_iota(jnp.int32, (1, _B), 1).astype(jnp.float32)
               + 0.5) / _INVW
    s0r = n0r * centers
    s1r = n1r * centers

    def cumsum_lane(x):
        k = 1
        while k < _B:
            x = x + jnp.concatenate(
                [jnp.zeros((1, k), jnp.float32), x[:, :_B - k]], axis=1)
            k *= 2
        return x

    c0 = S0 - cumsum_lane(n0r)
    c1 = S1 - cumsum_lane(n1r)
    D = P + c0 + 0.5 * n0r
    E = P + c0
    F = E + n0r
    t1 = s1r / jnp.maximum(D, 0.5)
    t0 = s0r * (P - c1 - 0.5 * n1r) / jnp.maximum(E * F, 0.5)
    loss = jnp.sum(t1 + t0)
    vbar = jnp.where(n0r + n1r > 0.0, centers, 0.0)
    res = jnp.where(P > 0.0, loss, jnp.max(vbar))
    out_ref[...] = jnp.broadcast_to(res, (1, 1))


def _finalize(cnt):
    return pl.pallas_call(
        _tc_final,
        out_shape=jax.ShapeDtypeStruct((1, 1), jnp.float32),
    )(cnt)


@jax.jit
def kernel(logits, targets):
    z = _pack(logits, targets.astype(jnp.int32))
    cnt = _sc_call(z)
    out = _finalize(cnt.reshape(_NW * 16, _S))
    return out[0, 0]

# --- scband reference (transcript-rebuilt; emitter-appended) ---
"""Pipeline reference for scband-lovasz-hinge-loss-72052371357943 (READ-ONLY COPY).

The authoritative reference and input builder live on the scoring server;
editing this copy changes nothing except your own understanding.
"""

import jax, jax.numpy as jnp
import numpy as np

def setup_inputs(seed: int = 0) -> dict:
    key = jax.random.key(seed)
    k1, k2 = jax.random.split(key)
    logits = jax.random.normal(k1, (16, 512, 512), dtype=jnp.float32)
    targets = jax.random.randint(k2, (16, 512, 512), 0, 2, dtype=jnp.int64)
    return {"logits": logits, "targets": targets}

def _lovasz_grad(gt_sorted):
    gts = gt_sorted.sum()
    intersection = gts - jnp.cumsum(gt_sorted)
    union = gts + jnp.cumsum(1.0 - gt_sorted)
    jaccard = 1.0 - intersection / union
    grad = jnp.concatenate([jaccard[:1], jaccard[1:] - jaccard[:-1]])
    return grad

def reference(logits, targets):
    logits_flat = logits.reshape(-1)
    labels = targets.reshape(-1).astype(jnp.float32)
    signs = 2.0 * labels - 1.0
    errors = 1.0 - logits_flat * signs
    perm = jnp.argsort(-errors)
    errors_sorted = errors[perm]
    gt_sorted = labels[perm]
    grad = _lovasz_grad(gt_sorted)
    loss = jnp.dot(jax.nn.relu(errors_sorted), grad)
    return loss

if __name__ == "__main__":
    import jax
    _d = setup_inputs()
    print(jax.jit(kernel)(*tuple(_d.values())))

</pallas_src>

<mosaic_0001>
#map = affine_map<(d0, d1) -> (0, 0)>
#map1 = affine_map<(d0, d1) -> (0, 0, 0)>
module attributes {stable_mosaic.version = 14 : i64} {
  func.func @_sc_hist(%arg0: i32, %arg1: i32, %arg2: memref<32768x128xi32, #tpu.memory_space<hbm>>, %arg3: memref<32x16x4099xf32, #tpu.memory_space<hbm>>, %arg4: memref<64x128xi32, #tpu.memory_space<vmem>>, %arg5: memref<64x128xi32, #tpu.memory_space<vmem>>, %arg6: memref<16x4099xf32, #tpu.memory_space<vmem>>, %arg7: memref<!tpu.dma_semaphore, #tpu.memory_space<semaphore_mem>>, %arg8: memref<!tpu.dma_semaphore, #tpu.memory_space<semaphore_mem>>) attributes {dimension_semantics = [#tpu.dimension_semantics<core_parallel>, #tpu.dimension_semantics<subcore_parallel>], iteration_bounds = array<i64: 2, 16>, scalar_prefetch = 0 : i64, scratch_operands = 5 : i64, tpu.core_type = #tpu.core_type<sc_vector_subcore>, window_params = [{transform_indices = #map}, {transform_indices = #map1}]} {
    %mul3A = arith.constant 2 : i32
    %mul3A_0 = arith.muli %arg1, %mul3A : i32
    %add3A = arith.addi %mul3A_0, %arg0 : i32
    %iota3A = tpu.iota {dimensions = array<i32: 0>} : vector<16xi32>
    %broadcast_in_dim3A = arith.constant 0.000000e+00 : f32
    %broadcast_in_dim3A_1 = vector.broadcast %broadcast_in_dim3A : f32 to vector<16xf32>
    %broadcast_in_dim3A_2 = arith.constant 1.000000e+00 : f32
    %broadcast_in_dim3A_3 = vector.broadcast %broadcast_in_dim3A_2 : f32 to vector<16xf32>
    %scan3A = arith.constant 0 : i32
    %scan3A_4 = arith.constant 0 : i32
    %scan3A_5 = arith.constant 256 : i32
    %scan3A_6 = arith.addi %scan3A_4, %scan3A_5 : i32
    %scan3A_7 = arith.constant 1 : i32
    scf.for %scan3A_90 = %scan3A_4 to %scan3A_6 step %scan3A_7  : i32 {
      %mul3A_91 = arith.constant 16 : i32
      %mul3A_92 = arith.muli %scan3A_90, %mul3A_91 : i32
      %swap3A_93 = arith.constant 0 : i32
      %swap3A_94 = arith.index_cast %swap3A_93 : i32 to index
      %swap3A_95 = arith.index_cast %mul3A_92 : i32 to index
      %swap3A_96 = tpu.vector_load %arg6[%swap3A_94, %swap3A_95] {strides = array<i32>} : memref<16x4099xf32, #tpu.memory_space<vmem>>, vector<16xf32>,
      tpu.vector_store %arg6[%swap3A_94, %swap3A_95], %broadcast_in_dim3A_1 {strides = array<i32>} : memref<16x4099xf32, #tpu.memory_space<vmem>>, vector<16xf32>,
      %mul3A_97 = arith.constant 16 : i32
      %mul3A_98 = arith.muli %scan3A_90, %mul3A_97 : i32
      %swap3A_99 = arith.constant 1 : i32
      %swap3A_100 = arith.index_cast %swap3A_99 : i32 to index
      %swap3A_101 = arith.index_cast %mul3A_98 : i32 to index
      %swap3A_102 = tpu.vector_load %arg6[%swap3A_100, %swap3A_101] {strides = array<i32>} : memref<16x4099xf32, #tpu.memory_space<vmem>>, vector<16xf32>,
      tpu.vector_store %arg6[%swap3A_100, %swap3A_101], %broadcast_in_dim3A_1 {strides = array<i32>} : memref<16x4099xf32, #tpu.memory_space<vmem>>, vector<16xf32>,
      %mul3A_103 = arith.constant 16 : i32
      %mul3A_104 = arith.muli %scan3A_90, %mul3A_103 : i32
      %swap3A_105 = arith.constant 2 : i32
      %swap3A_106 = arith.index_cast %swap3A_105 : i32 to index
      %swap3A_107 = arith.index_cast %mul3A_104 : i32 to index
      %swap3A_108 = tpu.vector_load %arg6[%swap3A_106, %swap3A_107] {strides = array<i32>} : memref<16x4099xf32, #tpu.memory_space<vmem>>, vector<16xf32>,
      tpu.vector_store %arg6[%swap3A_106, %swap3A_107], %broadcast_in_dim3A_1 {strides = array<i32>} : memref<16x4099xf32, #tpu.memory_space<vmem>>, vector<16xf32>,
      %mul3A_109 = arith.constant 16 : i32
      %mul3A_110 = arith.muli %scan3A_90, %mul3A_109 : i32
      %swap3A_111 = arith.constant 3 : i32
      %swap3A_112 = arith.index_cast %swap3A_111 : i32 to index
      %swap3A_113 = arith.index_cast %mul3A_110 : i32 to index
      %swap3A_114 = tpu.vector_load %arg6[%swap3A_112, %swap3A_113] {strides = array<i32>} : memref<16x4099xf32, #tpu.memory_space<vmem>>, vector<16xf32>,
      tpu.vector_store %arg6[%swap3A_112, %swap3A_113], %broadcast_in_dim3A_1 {strides = array<i32>} : memref<16x4099xf32, #tpu.memory_space<vmem>>, vector<16xf32>,
      %mul3A_115 = arith.constant 16 : i32
      %mul3A_116 = arith.muli %scan3A_90, %mul3A_115 : i32
      %swap3A_117 = arith.constant 4 : i32
      %swap3A_118 = arith.index_cast %swap3A_117 : i32 to index
      %swap3A_119 = arith.index_cast %mul3A_116 : i32 to index
      %swap3A_120 = tpu.vector_load %arg6[%swap3A_118, %swap3A_119] {strides = array<i32>} : memref<16x4099xf32, #tpu.memory_space<vmem>>, vector<16xf32>,
      tpu.vector_store %arg6[%swap3A_118, %swap3A_119], %broadcast_in_dim3A_1 {strides = array<i32>} : memref<16x4099xf32, #tpu.memory_space<vmem>>, vector<16xf32>,
      %mul3A_121 = arith.constant 16 : i32
      %mul3A_122 = arith.muli %scan3A_90, %mul3A_121 : i32
      %swap3A_123 = arith.constant 5 : i32
      %swap3A_124 = arith.index_cast %swap3A_123 : i32 to index
      %swap3A_125 = arith.index_cast %mul3A_122 : i32 to index
      %swap3A_126 = tpu.vector_load %arg6[%swap3A_124, %swap3A_125] {strides = array<i32>} : memref<16x4099xf32, #tpu.memory_space<vmem>>, vector<16xf32>,
      tpu.vector_store %arg6[%swap3A_124, %swap3A_125], %broadcast_in_dim3A_1 {strides = array<i32>} : memref<16x4099xf32, #tpu.memory_space<vmem>>, vector<16xf32>,
      %mul3A_127 = arith.constant 16 : i32
      %mul3A_128 = arith.muli %scan3A_90, %mul3A_127 : i32
      %swap3A_129 = arith.constant 6 : i32
      %swap3A_130 = arith.index_cast %swap3A_129 : i32 to index
      %swap3A_131 = arith.index_cast %mul3A_128 : i32 to index
      %swap3A_132 = tpu.vector_load %arg6[%swap3A_130, %swap3A_131] {strides = array<i32>} : memref<16x4099xf32, #tpu.memory_space<vmem>>, vector<16xf32>,
      tpu.vector_store %arg6[%swap3A_130, %swap3A_131], %broadcast_in_dim3A_1 {strides = array<i32>} : memref<16x4099xf32, #tpu.memory_space<vmem>>, vector<16xf32>,
      %mul3A_133 = arith.constant 16 : i32
      %mul3A_134 = arith.muli %scan3A_90, %mul3A_133 : i32
      %swap3A_135 = arith.constant 7 : i32
      %swap3A_136 = arith.index_cast %swap3A_135 : i32 to index
      %swap3A_137 = arith.index_cast %mul3A_134 : i32 to index
      %swap3A_138 = tpu.vector_load %arg6[%swap3A_136, %swap3A_137] {strides = array<i32>} : memref<16x4099xf32, #tpu.memory_space<vmem>>, vector<16xf32>,
      tpu.vector_store %arg6[%swap3A_136, %swap3A_137], %broadcast_in_dim3A_1 {strides = array<i32>} : memref<16x4099xf32, #tpu.memory_space<vmem>>, vector<16xf32>,
      %mul3A_139 = arith.constant 16 : i32
      %mul3A_140 = arith.muli %scan3A_90, %mul3A_139 : i32
      %swap3A_141 = arith.constant 8 : i32
      %swap3A_142 = arith.index_cast %swap3A_141 : i32 to index
      %swap3A_143 = arith.index_cast %mul3A_140 : i32 to index
      %swap3A_144 = tpu.vector_load %arg6[%swap3A_142, %swap3A_143] {strides = array<i32>} : memref<16x4099xf32, #tpu.memory_space<vmem>>, vector<16xf32>,
      tpu.vector_store %arg6[%swap3A_142, %swap3A_143], %broadcast_in_dim3A_1 {strides = array<i32>} : memref<16x4099xf32, #tpu.memory_space<vmem>>, vector<16xf32>,
      %mul3A_145 = arith.constant 16 : i32
      %mul3A_146 = arith.muli %scan3A_90, %mul3A_145 : i32
      %swap3A_147 = arith.constant 9 : i32
      %swap3A_148 = arith.index_cast %swap3A_147 : i32 to index
      %swap3A_149 = arith.index_cast %mul3A_146 : i32 to index
      %swap3A_150 = tpu.vector_load %arg6[%swap3A_148, %swap3A_149] {strides = array<i32>} : memref<16x4099xf32, #tpu.memory_space<vmem>>, vector<16xf32>,
      tpu.vector_store %arg6[%swap3A_148, %swap3A_149], %broadcast_in_dim3A_1 {strides = array<i32>} : memref<16x4099xf32, #tpu.memory_space<vmem>>, vector<16xf32>,
      %mul3A_151 = arith.constant 16 : i32
      %mul3A_152 = arith.muli %scan3A_90, %mul3A_151 : i32
      %swap3A_153 = arith.constant 10 : i32
      %swap3A_154 = arith.index_cast %swap3A_153 : i32 to index
      %swap3A_155 = arith.index_cast %mul3A_152 : i32 to index
      %swap3A_156 = tpu.vector_load %arg6[%swap3A_154, %swap3A_155] {strides = array<i32>} : memref<16x4099xf32, #tpu.memory_space<vmem>>, vector<16xf32>,
      tpu.vector_store %arg6[%swap3A_154, %swap3A_155], %broadcast_in_dim3A_1 {strides = array<i32>} : memref<16x4099xf32, #tpu.memory_space<vmem>>, vector<16xf32>,
      %mul3A_157 = arith.constant 16 : i32
      %mul3A_158 = arith.muli %scan3A_90, %mul3A_157 : i32
      %swap3A_159 = arith.constant 11 : i32
      %swap3A_160 = arith.index_cast %swap3A_159 : i32 to index
      %swap3A_161 = arith.index_cast %mul3A_158 : i32 to index
      %swap3A_162 = tpu.vector_load %arg6[%swap3A_160, %swap3A_161] {strides = array<i32>} : memref<16x4099xf32, #tpu.memory_space<vmem>>, vector<16xf32>,
      tpu.vector_store %arg6[%swap3A_160, %swap3A_161], %broadcast_in_dim3A_1 {strides = array<i32>} : memref<16x4099xf32, #tpu.memory_space<vmem>>, vector<16xf32>,
      %mul3A_163 = arith.constant 16 : i32
      %mul3A_164 = arith.muli %scan3A_90, %mul3A_163 : i32
      %swap3A_165 = arith.constant 12 : i32
      %swap3A_166 = arith.index_cast %swap3A_165 : i32 to index
      %swap3A_167 = arith.index_cast %mul3A_164 : i32 to index
      %swap3A_168 = tpu.vector_load %arg6[%swap3A_166, %swap3A_167] {strides = array<i32>} : memref<16x4099xf32, #tpu.memory_space<vmem>>, vector<16xf32>,
      tpu.vector_store %arg6[%swap3A_166, %swap3A_167], %broadcast_in_dim3A_1 {strides = array<i32>} : memref<16x4099xf32, #tpu.memory_space<vmem>>, vector<16xf32>,
      %mul3A_169 = arith.constant 16 : i32
      %mul3A_170 = arith.muli %scan3A_90, %mul3A_169 : i32
      %swap3A_171 = arith.constant 13 : i32
      %swap3A_172 = arith.index_cast %swap3A_171 : i32 to index
      %swap3A_173 = arith.index_cast %mul3A_170 : i32 to index
      %swap3A_174 = tpu.vector_load %arg6[%swap3A_172, %swap3A_173] {strides = array<i32>} : memref<16x4099xf32, #tpu.memory_space<vmem>>, vector<16xf32>,
      tpu.vector_store %arg6[%swap3A_172, %swap3A_173], %broadcast_in_dim3A_1 {strides = array<i32>} : memref<16x4099xf32, #tpu.memory_space<vmem>>, vector<16xf32>,
      %mul3A_175 = arith.constant 16 : i32
      %mul3A_176 = arith.muli %scan3A_90, %mul3A_175 : i32
      %swap3A_177 = arith.constant 14 : i32
      %swap3A_178 = arith.index_cast %swap3A_177 : i32 to index
      %swap3A_179 = arith.index_cast %mul3A_176 : i32 to index
      %swap3A_180 = tpu.vector_load %arg6[%swap3A_178, %swap3A_179] {strides = array<i32>} : memref<16x4099xf32, #tpu.memory_space<vmem>>, vector<16xf32>,
      tpu.vector_store %arg6[%swap3A_178, %swap3A_179], %broadcast_in_dim3A_1 {strides = array<i32>} : memref<16x4099xf32, #tpu.memory_space<vmem>>, vector<16xf32>,
      %mul3A_181 = arith.constant 16 : i32
      %mul3A_182 = arith.muli %scan3A_90, %mul3A_181 : i32
      %swap3A_183 = arith.constant 15 : i32
      %swap3A_184 = arith.index_cast %swap3A_183 : i32 to index
      %swap3A_185 = arith.index_cast %mul3A_182 : i32 to index
      %swap3A_186 = tpu.vector_load %arg6[%swap3A_184, %swap3A_185] {strides = array<i32>} : memref<16x4099xf32, #tpu.memory_space<vmem>>, vector<16xf32>,
      tpu.vector_store %arg6[%swap3A_184, %swap3A_185], %broadcast_in_dim3A_1 {strides = array<i32>} : memref<16x4099xf32, #tpu.memory_space<vmem>>, vector<16xf32>,
    }
    %scan3A_8 = arith.constant 256 : i32
    %swap3A = arith.constant 0 : i32
    %swap3A_9 = arith.index_cast %swap3A : i32 to index
    %swap3A_10 = arith.constant 4083 : index
    %swap3A_11 = tpu.vector_load %arg6[%swap3A_9, %swap3A_10] {strides = array<i32>} : memref<16x4099xf32, #tpu.memory_space<vmem>>, vector<16xf32>,
    tpu.vector_store %arg6[%swap3A_9, %swap3A_10], %broadcast_in_dim3A_1 {strides = array<i32>} : memref<16x4099xf32, #tpu.memory_space<vmem>>, vector<16xf32>,
    %swap3A_12 = arith.constant 1 : i32
    %swap3A_13 = arith.index_cast %swap3A_12 : i32 to index
    %swap3A_14 = arith.constant 4083 : index
    %swap3A_15 = tpu.vector_load %arg6[%swap3A_13, %swap3A_14] {strides = array<i32>} : memref<16x4099xf32, #tpu.memory_space<vmem>>, vector<16xf32>,
    tpu.vector_store %arg6[%swap3A_13, %swap3A_14], %broadcast_in_dim3A_1 {strides = array<i32>} : memref<16x4099xf32, #tpu.memory_space<vmem>>, vector<16xf32>,
    %swap3A_16 = arith.constant 2 : i32
    %swap3A_17 = arith.index_cast %swap3A_16 : i32 to index
    %swap3A_18 = arith.constant 4083 : index
    %swap3A_19 = tpu.vector_load %arg6[%swap3A_17, %swap3A_18] {strides = array<i32>} : memref<16x4099xf32, #tpu.memory_space<vmem>>, vector<16xf32>,
    tpu.vector_store %arg6[%swap3A_17, %swap3A_18], %broadcast_in_dim3A_1 {strides = array<i32>} : memref<16x4099xf32, #tpu.memory_space<vmem>>, vector<16xf32>,
    %swap3A_20 = arith.constant 3 : i32
    %swap3A_21 = arith.index_cast %swap3A_20 : i32 to index
    %swap3A_22 = arith.constant 4083 : index
    %swap3A_23 = tpu.vector_load %arg6[%swap3A_21, %swap3A_22] {strides = array<i32>} : memref<16x4099xf32, #tpu.memory_space<vmem>>, vector<16xf32>,
    tpu.vector_store %arg6[%swap3A_21, %swap3A_22], %broadcast_in_dim3A_1 {strides = array<i32>} : memref<16x4099xf32, #tpu.memory_space<vmem>>, vector<16xf32>,
    %swap3A_24 = arith.constant 4 : i32
    %swap3A_25 = arith.index_cast %swap3A_24 : i32 to index
    %swap3A_26 = arith.constant 4083 : index
    %swap3A_27 = tpu.vector_load %arg6[%swap3A_25, %swap3A_26] {strides = array<i32>} : memref<16x4099xf32, #tpu.memory_space<vmem>>, vector<16xf32>,
    tpu.vector_store %arg6[%swap3A_25, %swap3A_26], %broadcast_in_dim3A_1 {strides = array<i32>} : memref<16x4099xf32, #tpu.memory_space<vmem>>, vector<16xf32>,
    %swap3A_28 = arith.constant 5 : i32
    %swap3A_29 = arith.index_cast %swap3A_28 : i32 to index
    %swap3A_30 = arith.constant 4083 : index
    %swap3A_31 = tpu.vector_load %arg6[%swap3A_29, %swap3A_30] {strides = array<i32>} : memref<16x4099xf32, #tpu.memory_space<vmem>>, vector<16xf32>,
    tpu.vector_store %arg6[%swap3A_29, %swap3A_30], %broadcast_in_dim3A_1 {strides = array<i32>} : memref<16x4099xf32, #tpu.memory_space<vmem>>, vector<16xf32>,
    %swap3A_32 = arith.constant 6 : i32
    %swap3A_33 = arith.index_cast %swap3A_32 : i32 to index
    %swap3A_34 = arith.constant 4083 : index
    %swap3A_35 = tpu.vector_load %arg6[%swap3A_33, %swap3A_34] {strides = array<i32>} : memref<16x4099xf32, #tpu.memory_space<vmem>>, vector<16xf32>,
    tpu.vector_store %arg6[%swap3A_33, %swap3A_34], %broadcast_in_dim3A_1 {strides = array<i32>} : memref<16x4099xf32, #tpu.memory_space<vmem>>, vector<16xf32>,
    %swap3A_36 = arith.constant 7 : i32
    %swap3A_37 = arith.index_cast %swap3A_36 : i32 to index
    %swap3A_38 = arith.constant 4083 : index
    %swap3A_39 = tpu.vector_load %arg6[%swap3A_37, %swap3A_38] {strides = array<i32>} : memref<16x4099xf32, #tpu.memory_space<vmem>>, vector<16xf32>,
    tpu.vector_store %arg6[%swap3A_37, %swap3A_38], %broadcast_in_dim3A_1 {strides = array<i32>} : memref<16x4099xf32, #tpu.memory_space<vmem>>, vector<16xf32>,
    %swap3A_40 = arith.constant 8 : i32
    %swap3A_41 = arith.index_cast %swap3A_40 : i32 to index
    %swap3A_42 = arith.constant 4083 : index
    %swap3A_43 = tpu.vector_load %arg6[%swap3A_41, %swap3A_42] {strides = array<i32>} : memref<16x4099xf32, #tpu.memory_space<vmem>>, vector<16xf32>,
    tpu.vector_store %arg6[%swap3A_41, %swap3A_42], %broadcast_in_dim3A_1 {strides = array<i32>} : memref<16x4099xf32, #tpu.memory_space<vmem>>, vector<16xf32>,
    %swap3A_44 = arith.constant 9 : i32
    %swap3A_45 = arith.index_cast %swap3A_44 : i32 to index
    %swap3A_46 = arith.constant 4083 : index
    %swap3A_47 = tpu.vector_load %arg6[%swap3A_45, %swap3A_46] {strides = array<i32>} : memref<16x4099xf32, #tpu.memory_space<vmem>>, vector<16xf32>,
    tpu.vector_store %arg6[%swap3A_45, %swap3A_46], %broadcast_in_dim3A_1 {strides = array<i32>} : memref<16x4099xf32, #tpu.memory_space<vmem>>, vector<16xf32>,
    %swap3A_48 = arith.constant 10 : i32
    %swap3A_49 = arith.index_cast %swap3A_48 : i32 to index
    %swap3A_50 = arith.constant 4083 : index
    %swap3A_51 = tpu.vector_load %arg6[%swap3A_49, %swap3A_50] {strides = array<i32>} : memref<16x4099xf32, #tpu.memory_space<vmem>>, vector<16xf32>,
    tpu.vector_store %arg6[%swap3A_49, %swap3A_50], %broadcast_in_dim3A_1 {strides = array<i32>} : memref<16x4099xf32, #tpu.memory_space<vmem>>, vector<16xf32>,
    %swap3A_52 = arith.constant 11 : i32
    %swap3A_53 = arith.index_cast %swap3A_52 : i32 to index
    %swap3A_54 = arith.constant 4083 : index
    %swap3A_55 = tpu.vector_load %arg6[%swap3A_53, %swap3A_54] {strides = array<i32>} : memref<16x4099xf32, #tpu.memory_space<vmem>>, vector<16xf32>,
    tpu.vector_store %arg6[%swap3A_53, %swap3A_54], %broadcast_in_dim3A_1 {strides = array<i32>} : memref<16x4099xf32, #tpu.memory_space<vmem>>, vector<16xf32>,
    %swap3A_56 = arith.constant 12 : i32
    %swap3A_57 = arith.index_cast %swap3A_56 : i32 to index
    %swap3A_58 = arith.constant 4083 : index
    %swap3A_59 = tpu.vector_load %arg6[%swap3A_57, %swap3A_58] {strides = array<i32>} : memref<16x4099xf32, #tpu.memory_space<vmem>>, vector<16xf32>,
    tpu.vector_store %arg6[%swap3A_57, %swap3A_58], %broadcast_in_dim3A_1 {strides = array<i32>} : memref<16x4099xf32, #tpu.memory_space<vmem>>, vector<16xf32>,
    %swap3A_60 = arith.constant 13 : i32
    %swap3A_61 = arith.index_cast %swap3A_60 : i32 to index
    %swap3A_62 = arith.constant 4083 : index
    %swap3A_63 = tpu.vector_load %arg6[%swap3A_61, %swap3A_62] {strides = array<i32>} : memref<16x4099xf32, #tpu.memory_space<vmem>>, vector<16xf32>,
    tpu.vector_store %arg6[%swap3A_61, %swap3A_62], %broadcast_in_dim3A_1 {strides = array<i32>} : memref<16x4099xf32, #tpu.memory_space<vmem>>, vector<16xf32>,
    %swap3A_64 = arith.constant 14 : i32
    %swap3A_65 = arith.index_cast %swap3A_64 : i32 to index
    %swap3A_66 = arith.constant 4083 : index
    %swap3A_67 = tpu.vector_load %arg6[%swap3A_65, %swap3A_66] {strides = array<i32>} : memref<16x4099xf32, #tpu.memory_space<vmem>>, vector<16xf32>,
    tpu.vector_store %arg6[%swap3A_65, %swap3A_66], %broadcast_in_dim3A_1 {strides = array<i32>} : memref<16x4099xf32, #tpu.memory_space<vmem>>, vector<16xf32>,
    %swap3A_68 = arith.constant 15 : i32
    %swap3A_69 = arith.index_cast %swap3A_68 : i32 to index
    %swap3A_70 = arith.constant 4083 : index
    %swap3A_71 = tpu.vector_load %arg6[%swap3A_69, %swap3A_70] {strides = array<i32>} : memref<16x4099xf32, #tpu.memory_space<vmem>>, vector<16xf32>,
    tpu.vector_store %arg6[%swap3A_69, %swap3A_70], %broadcast_in_dim3A_1 {strides = array<i32>} : memref<16x4099xf32, #tpu.memory_space<vmem>>, vector<16xf32>,
    %mul3A_72 = arith.constant 1024 : i32
    %mul3A_73 = arith.muli %add3A, %mul3A_72 : i32
    %add3A_74 = arith.constant 0 : i32
    %add3A_75 = arith.addi %mul3A_73, %add3A_74 : i32
    %dma_start3A = arith.constant 0 : i32
    %dma_start3A_76 = tpu.memref_slice %arg2[%add3A_75, %dma_start3A] : memref<32768x128xi32, #tpu.memory_space<hbm>> -> memref<64x128xi32, #tpu.memory_space<hbm>>
    %dma_start3A_77 = arith.constant 0 : i32
    %dma_start3A_78 = tpu.memref_slice %arg2[%add3A_75, %dma_start3A_77] : memref<32768x128xi32, #tpu.memory_space<hbm>> -> memref<64x128xi32, #tpu.memory_space<hbm>>
    tpu.enqueue_dma source(%dma_start3A_78 : memref<64x128xi32, #tpu.memory_space<hbm>>) target(%arg4 : memref<64x128xi32, #tpu.memory_space<vmem>>) target_semaphore(%arg7 : memref<!tpu.dma_semaphore, #tpu.memory_space<semaphore_mem>>)
    %scan3A_79 = arith.constant 0 : i32
    %scan3A_80 = arith.constant 0 : i32
    %scan3A_81 = arith.constant 8 : i32
    %scan3A_82 = arith.addi %scan3A_80, %scan3A_81 : i32
    %scan3A_83 = arith.constant 1 : i32
    scf.for %scan3A_90 = %scan3A_80 to %scan3A_82 step %scan3A_83  : i32 {
      %mul3A_91 = arith.constant 2 : i32
      %mul3A_92 = arith.muli %scan3A_90, %mul3A_91 : i32
      %add3A_93 = arith.constant 1 : i32
      %add3A_94 = arith.addi %mul3A_92, %add3A_93 : i32
      %mul3A_95 = arith.constant 64 : i32
      %mul3A_96 = arith.muli %add3A_94, %mul3A_95 : i32
      %add3A_97 = arith.addi %mul3A_73, %mul3A_96 : i32
      %dma_start3A_98 = arith.constant 0 : i32
      %dma_start3A_99 = tpu.memref_slice %arg2[%add3A_97, %dma_start3A_98] : memref<32768x128xi32, #tpu.memory_space<hbm>> -> memref<64x128xi32, #tpu.memory_space<hbm>>
      %dma_start3A_100 = arith.constant 0 : i32
      %dma_start3A_101 = tpu.memref_slice %arg2[%add3A_97, %dma_start3A_100] : memref<32768x128xi32, #tpu.memory_space<hbm>> -> memref<64x128xi32, #tpu.memory_space<hbm>>
      tpu.enqueue_dma source(%dma_start3A_101 : memref<64x128xi32, #tpu.memory_space<hbm>>) target(%arg5 : memref<64x128xi32, #tpu.memory_space<vmem>>) target_semaphore(%arg8 : memref<!tpu.dma_semaphore, #tpu.memory_space<semaphore_mem>>)
      %dma_wait3A_102 = arith.constant 0 : i32
      %dma_wait3A_103 = arith.constant 0 : i32
      %dma_wait3A_104 = tpu.memref_slice %arg2[%dma_wait3A_102, %dma_wait3A_103] : memref<32768x128xi32, #tpu.memory_space<hbm>> -> memref<64x128xi32, #tpu.memory_space<hbm>>
      %dma_wait3A_105 = arith.constant 0 : i32
      %dma_wait3A_106 = arith.constant 0 : i32
      %dma_wait3A_107 = tpu.memref_slice %arg2[%dma_wait3A_105, %dma_wait3A_106] : memref<32768x128xi32, #tpu.memory_space<hbm>> -> memref<64x128xi32, #tpu.memory_space<hbm>>
      tpu.wait_dma2 semaphore(%arg7 : memref<!tpu.dma_semaphore, #tpu.memory_space<semaphore_mem>>) src(%dma_wait3A_107 : memref<64x128xi32, #tpu.memory_space<hbm>>) dst(%arg4 : memref<64x128xi32, #tpu.memory_space<vmem>>)
      %scan3A_108 = arith.constant 0 : i32
      %scan3A_109 = arith.constant 32 : i32
      %scan3A_110 = arith.addi %scan3A_108, %scan3A_109 : i32
      %scan3A_111 = arith.constant 1 : i32
      scf.for %scan3A_134 = %scan3A_108 to %scan3A_110 step %scan3A_111  : i32 {
        %mul3A_135 = arith.constant 2 : i32
        %mul3A_136 = arith.muli %scan3A_134, %mul3A_135 : i32
        %add3A_137 = arith.constant 0 : i32
        %add3A_138 = arith.addi %mul3A_136, %add3A_137 : i32
        %get3A = arith.index_cast %add3A_138 : i32 to index
        %get3A_139 = arith.constant 0 : index
        %get3A_140 = tpu.vector_load %arg4[%get3A, %get3A_139] {strides = array<i32>} : memref<64x128xi32, #tpu.memory_space<vmem>>, vector<16xi32>,
        %mul3A_141 = arith.constant 2 : i32
        %mul3A_142 = arith.muli %scan3A_134, %mul3A_141 : i32
        %add3A_143 = arith.constant 0 : i32
        %add3A_144 = arith.addi %mul3A_142, %add3A_143 : i32
        %get3A_145 = arith.index_cast %add3A_144 : i32 to index
        %get3A_146 = arith.constant 16 : index
        %get3A_147 = tpu.vector_load %arg4[%get3A_145, %get3A_146] {strides = array<i32>} : memref<64x128xi32, #tpu.memory_space<vmem>>, vector<16xi32>,
        %mul3A_148 = arith.constant 2 : i32
        %mul3A_149 = arith.muli %scan3A_134, %mul3A_148 : i32
        %add3A_150 = arith.constant 0 : i32
        %add3A_151 = arith.addi %mul3A_149, %add3A_150 : i32
        %get3A_152 = arith.index_cast %add3A_151 : i32 to index
        %get3A_153 = arith.constant 32 : index
        %get3A_154 = tpu.vector_load %arg4[%get3A_152, %get3A_153] {strides = array<i32>} : memref<64x128xi32, #tpu.memory_space<vmem>>, vector<16xi32>,
        %mul3A_155 = arith.constant 2 : i32
        %mul3A_156 = arith.muli %scan3A_134, %mul3A_155 : i32
        %add3A_157 = arith.constant 0 : i32
        %add3A_158 = arith.addi %mul3A_156, %add3A_157 : i32
        %get3A_159 = arith.index_cast %add3A_158 : i32 to index
        %get3A_160 = arith.constant 48 : index
        %get3A_161 = tpu.vector_load %arg4[%get3A_159, %get3A_160] {strides = array<i32>} : memref<64x128xi32, #tpu.memory_space<vmem>>, vector<16xi32>,
        %mul3A_162 = arith.constant 2 : i32
        %mul3A_163 = arith.muli %scan3A_134, %mul3A_162 : i32
        %add3A_164 = arith.constant 0 : i32
        %add3A_165 = arith.addi %mul3A_163, %add3A_164 : i32
        %get3A_166 = arith.index_cast %add3A_165 : i32 to index
        %get3A_167 = arith.constant 64 : index
        %get3A_168 = tpu.vector_load %arg4[%get3A_166, %get3A_167] {strides = array<i32>} : memref<64x128xi32, #tpu.memory_space<vmem>>, vector<16xi32>,
        %mul3A_169 = arith.constant 2 : i32
        %mul3A_170 = arith.muli %scan3A_134, %mul3A_169 : i32
        %add3A_171 = arith.constant 0 : i32
        %add3A_172 = arith.addi %mul3A_170, %add3A_171 : i32
        %get3A_173 = arith.index_cast %add3A_172 : i32 to index
        %get3A_174 = arith.constant 80 : index
        %get3A_175 = tpu.vector_load %arg4[%get3A_173, %get3A_174] {strides = array<i32>} : memref<64x128xi32, #tpu.memory_space<vmem>>, vector<16xi32>,
        %mul3A_176 = arith.constant 2 : i32
        %mul3A_177 = arith.muli %scan3A_134, %mul3A_176 : i32
        %add3A_178 = arith.constant 0 : i32
        %add3A_179 = arith.addi %mul3A_177, %add3A_178 : i32
        %get3A_180 = arith.index_cast %add3A_179 : i32 to index
        %get3A_181 = arith.constant 96 : index
        %get3A_182 = tpu.vector_load %arg4[%get3A_180, %get3A_181] {strides = array<i32>} : memref<64x128xi32, #tpu.memory_space<vmem>>, vector<16xi32>,
        %mul3A_183 = arith.constant 2 : i32
        %mul3A_184 = arith.muli %scan3A_134, %mul3A_183 : i32
        %add3A_185 = arith.constant 0 : i32
        %add3A_186 = arith.addi %mul3A_184, %add3A_185 : i32
        %get3A_187 = arith.index_cast %add3A_186 : i32 to index
        %get3A_188 = arith.constant 112 : index
        %get3A_189 = tpu.vector_load %arg4[%get3A_187, %get3A_188] {strides = array<i32>} : memref<64x128xi32, #tpu.memory_space<vmem>>, vector<16xi32>,
        %mul3A_190 = arith.constant 2 : i32
        %mul3A_191 = arith.muli %scan3A_134, %mul3A_190 : i32
        %add3A_192 = arith.constant 1 : i32
        %add3A_193 = arith.addi %mul3A_191, %add3A_192 : i32
        %get3A_194 = arith.index_cast %add3A_193 : i32 to index
        %get3A_195 = arith.constant 0 : index
        %get3A_196 = tpu.vector_load %arg4[%get3A_194, %get3A_195] {strides = array<i32>} : memref<64x128xi32, #tpu.memory_space<vmem>>, vector<16xi32>,
        %mul3A_197 = arith.constant 2 : i32
        %mul3A_198 = arith.muli %scan3A_134, %mul3A_197 : i32
        %add3A_199 = arith.constant 1 : i32
        %add3A_200 = arith.addi %mul3A_198, %add3A_199 : i32
        %get3A_201 = arith.index_cast %add3A_200 : i32 to index
        %get3A_202 = arith.constant 16 : index
        %get3A_203 = tpu.vector_load %arg4[%get3A_201, %get3A_202] {strides = array<i32>} : memref<64x128xi32, #tpu.memory_space<vmem>>, vector<16xi32>,
        %mul3A_204 = arith.constant 2 : i32
        %mul3A_205 = arith.muli %scan3A_134, %mul3A_204 : i32
        %add3A_206 = arith.constant 1 : i32
        %add3A_207 = arith.addi %mul3A_205, %add3A_206 : i32
        %get3A_208 = arith.index_cast %add3A_207 : i32 to index
        %get3A_209 = arith.constant 32 : index
        %get3A_210 = tpu.vector_load %arg4[%get3A_208, %get3A_209] {strides = array<i32>} : memref<64x128xi32, #tpu.memory_space<vmem>>, vector<16xi32>,
        %mul3A_211 = arith.constant 2 : i32
        %mul3A_212 = arith.muli %scan3A_134, %mul3A_211 : i32
        %add3A_213 = arith.constant 1 : i32
        %add3A_214 = arith.addi %mul3A_212, %add3A_213 : i32
        %get3A_215 = arith.index_cast %add3A_214 : i32 to index
        %get3A_216 = arith.constant 48 : index
        %get3A_217 = tpu.vector_load %arg4[%get3A_215, %get3A_216] {strides = array<i32>} : memref<64x128xi32, #tpu.memory_space<vmem>>, vector<16xi32>,
        %mul3A_218 = arith.constant 2 : i32
        %mul3A_219 = arith.muli %scan3A_134, %mul3A_218 : i32
        %add3A_220 = arith.constant 1 : i32
        %add3A_221 = arith.addi %mul3A_219, %add3A_220 : i32
        %get3A_222 = arith.index_cast %add3A_221 : i32 to index
        %get3A_223 = arith.constant 64 : index
        %get3A_224 = tpu.vector_load %arg4[%get3A_222, %get3A_223] {strides = array<i32>} : memref<64x128xi32, #tpu.memory_space<vmem>>, vector<16xi32>,
        %mul3A_225 = arith.constant 2 : i32
        %mul3A_226 = arith.muli %scan3A_134, %mul3A_225 : i32
        %add3A_227 = arith.constant 1 : i32
        %add3A_228 = arith.addi %mul3A_226, %add3A_227 : i32
        %get3A_229 = arith.index_cast %add3A_228 : i32 to index
        %get3A_230 = arith.constant 80 : index
        %get3A_231 = tpu.vector_load %arg4[%get3A_229, %get3A_230] {strides = array<i32>} : memref<64x128xi32, #tpu.memory_space<vmem>>, vector<16xi32>,
        %mul3A_232 = arith.constant 2 : i32
        %mul3A_233 = arith.muli %scan3A_134, %mul3A_232 : i32
        %add3A_234 = arith.constant 1 : i32
        %add3A_235 = arith.addi %mul3A_233, %add3A_234 : i32
        %get3A_236 = arith.index_cast %add3A_235 : i32 to index
        %get3A_237 = arith.constant 96 : index
        %get3A_238 = tpu.vector_load %arg4[%get3A_236, %get3A_237] {strides = array<i32>} : memref<64x128xi32, #tpu.memory_space<vmem>>, vector<16xi32>,
        %mul3A_239 = arith.constant 2 : i32
        %mul3A_240 = arith.muli %scan3A_134, %mul3A_239 : i32
        %add3A_241 = arith.constant 1 : i32
        %add3A_242 = arith.addi %mul3A_240, %add3A_241 : i32
        %get3A_243 = arith.index_cast %add3A_242 : i32 to index
        %get3A_244 = arith.constant 112 : index
        %get3A_245 = tpu.vector_load %arg4[%get3A_243, %get3A_244] {strides = array<i32>} : memref<64x128xi32, #tpu.memory_space<vmem>>, vector<16xi32>,
        tpu.vector_store_idx %arg6[%iota3A, %get3A_140], %broadcast_in_dim3A_3 {add = true} : memref<16x4099xf32, #tpu.memory_space<vmem>>[vector<16xi32>, vector<16xi32>], vector<16xf32>,
        tpu.vector_store_idx %arg6[%iota3A, %get3A_147], %broadcast_in_dim3A_3 {add = true} : memref<16x4099xf32, #tpu.memory_space<vmem>>[vector<16xi32>, vector<16xi32>], vector<16xf32>,
        tpu.vector_store_idx %arg6[%iota3A, %get3A_154], %broadcast_in_dim3A_3 {add = true} : memref<16x4099xf32, #tpu.memory_space<vmem>>[vector<16xi32>, vector<16xi32>], vector<16xf32>,
        tpu.vector_store_idx %arg6[%iota3A, %get3A_161], %broadcast_in_dim3A_3 {add = true} : memref<16x4099xf32, #tpu.memory_space<vmem>>[vector<16xi32>, vector<16xi32>], vector<16xf32>,
        tpu.vector_store_idx %arg6[%iota3A, %get3A_168], %broadcast_in_dim3A_3 {add = true} : memref<16x4099xf32, #tpu.memory_space<vmem>>[vector<16xi32>, vector<16xi32>], vector<16xf32>,
        tpu.vector_store_idx %arg6[%iota3A, %get3A_175], %broadcast_in_dim3A_3 {add = true} : memref<16x4099xf32, #tpu.memory_space<vmem>>[vector<16xi32>, vector<16xi32>], vector<16xf32>,
        tpu.vector_store_idx %arg6[%iota3A, %get3A_182], %broadcast_in_dim3A_3 {add = true} : memref<16x4099xf32, #tpu.memory_space<vmem>>[vector<16xi32>, vector<16xi32>], vector<16xf32>,
        tpu.vector_store_idx %arg6[%iota3A, %get3A_189], %broadcast_in_dim3A_3 {add = true} : memref<16x4099xf32, #tpu.memory_space<vmem>>[vector<16xi32>, vector<16xi32>], vector<16xf32>,
        tpu.vector_store_idx %arg6[%iota3A, %get3A_196], %broadcast_in_dim3A_3 {add = true} : memref<16x4099xf32, #tpu.memory_space<vmem>>[vector<16xi32>, vector<16xi32>], vector<16xf32>,
        tpu.vector_store_idx %arg6[%iota3A, %get3A_203], %broadcast_in_dim3A_3 {add = true} : memref<16x4099xf32, #tpu.memory_space<vmem>>[vector<16xi32>, vector<16xi32>], vector<16xf32>,
        tpu.vector_store_idx %arg6[%iota3A, %get3A_210], %broadcast_in_dim3A_3 {add = true} : memref<16x4099xf32, #tpu.memory_space<vmem>>[vector<16xi32>, vector<16xi32>], vector<16xf32>,
        tpu.vector_store_idx %arg6[%iota3A, %get3A_217], %broadcast_in_dim3A_3 {add = true} : memref<16x4099xf32, #tpu.memory_space<vmem>>[vector<16xi32>, vector<16xi32>], vector<16xf32>,
        tpu.vector_store_idx %arg6[%iota3A, %get3A_224], %broadcast_in_dim3A_3 {add = true} : memref<16x4099xf32, #tpu.memory_space<vmem>>[vector<16xi32>, vector<16xi32>], vector<16xf32>,
        tpu.vector_store_idx %arg6[%iota3A, %get3A_231], %broadcast_in_dim3A_3 {add = true} : memref<16x4099xf32, #tpu.memory_space<vmem>>[vector<16xi32>, vector<16xi32>], vector<16xf32>,
        tpu.vector_store_idx %arg6[%iota3A, %get3A_238], %broadcast_in_dim3A_3 {add = true} : memref<16x4099xf32, #tpu.memory_space<vmem>>[vector<16xi32>, vector<16xi32>], vector<16xf32>,
        tpu.vector_store_idx %arg6[%iota3A, %get3A_245], %broadcast_in_dim3A_3 {add = true} : memref<16x4099xf32, #tpu.memory_space<vmem>>[vector<16xi32>, vector<16xi32>], vector<16xf32>,
      }
      %scan3A_112 = arith.constant 32 : i32
      %add3A_113 = arith.constant 2 : i32
      %add3A_114 = arith.addi %mul3A_92, %add3A_113 : i32
      %min3A = arith.constant 15 : i32
      %min3A_115 = arith.minsi %add3A_114, %min3A : i32
      %mul3A_116 = arith.constant 64 : i32
      %mul3A_117 = arith.muli %min3A_115, %mul3A_116 : i32
      %add3A_118 = arith.addi %mul3A_73, %mul3A_117 : i32
      %dma_start3A_119 = arith.constant 0 : i32
      %dma_start3A_120 = tpu.memref_slice %arg2[%add3A_118, %dma_start3A_119] : memref<32768x128xi32, #tpu.memory_space<hbm>> -> memref<64x128xi32, #tpu.memory_space<hbm>>
      %dma_start3A_121 = arith.constant 0 : i32
      %dma_start3A_122 = tpu.memref_slice %arg2[%add3A_118, %dma_start3A_121] : memref<32768x128xi32, #tpu.memory_space<hbm>> -> memref<64x128xi32, #tpu.memory_space<hbm>>
      tpu.enqueue_dma source(%dma_start3A_122 : memref<64x128xi32, #tpu.memory_space<hbm>>) target(%arg4 : memref<64x128xi32, #tpu.memory_space<vmem>>) target_semaphore(%arg7 : memref<!tpu.dma_semaphore, #tpu.memory_space<semaphore_mem>>)
      %dma_wait3A_123 = arith.constant 0 : i32
      %dma_wait3A_124 = arith.constant 0 : i32
      %dma_wait3A_125 = tpu.memref_slice %arg2[%dma_wait3A_123, %dma_wait3A_124] : memref<32768x128xi32, #tpu.memory_space<hbm>> -> memref<64x128xi32, #tpu.memory_space<hbm>>
      %dma_wait3A_126 = arith.constant 0 : i32
      %dma_wait3A_127 = arith.constant 0 : i32
      %dma_wait3A_128 = tpu.memref_slice %arg2[%dma_wait3A_126, %dma_wait3A_127] : memref<32768x128xi32, #tpu.memory_space<hbm>> -> memref<64x128xi32, #tpu.memory_space<hbm>>
      tpu.wait_dma2 semaphore(%arg8 : memref<!tpu.dma_semaphore, #tpu.memory_space<semaphore_mem>>) src(%dma_wait3A_128 : memref<64x128xi32, #tpu.memory_space<hbm>>) dst(%arg5 : memref<64x128xi32, #tpu.memory_space<vmem>>)
      %scan3A_129 = arith.constant 0 : i32
      %scan3A_130 = arith.constant 32 : i32
      %scan3A_131 = arith.addi %scan3A_129, %scan3A_130 : i32
      %scan3A_132 = arith.constant 1 : i32
      scf.for %scan3A_134 = %scan3A_129 to %scan3A_131 step %scan3A_132  : i32 {
        %mul3A_135 = arith.constant 2 : i32
        %mul3A_136 = arith.muli %scan3A_134, %mul3A_135 : i32
        %add3A_137 = arith.constant 0 : i32
        %add3A_138 = arith.addi %mul3A_136, %add3A_137 : i32
        %get3A = arith.index_cast %add3A_138 : i32 to index
        %get3A_139 = arith.constant 0 : index
        %get3A_140 = tpu.vector_load %arg5[%get3A, %get3A_139] {strides = array<i32>} : memref<64x128xi32, #tpu.memory_space<vmem>>, vector<16xi32>,
        %mul3A_141 = arith.constant 2 : i32
        %mul3A_142 = arith.muli %scan3A_134, %mul3A_141 : i32
        %add3A_143 = arith.constant 0 : i32
        %add3A_144 = arith.addi %mul3A_142, %add3A_143 : i32
        %get3A_145 = arith.index_cast %add3A_144 : i32 to index
        %get3A_146 = arith.constant 16 : index
        %get3A_147 = tpu.vector_load %arg5[%get3A_145, %get3A_146] {strides = array<i32>} : memref<64x128xi32, #tpu.memory_space<vmem>>, vector<16xi32>,
        %mul3A_148 = arith.constant 2 : i32
        %mul3A_149 = arith.muli %scan3A_134, %mul3A_148 : i32
        %add3A_150 = arith.constant 0 : i32
        %add3A_151 = arith.addi %mul3A_149, %add3A_150 : i32
        %get3A_152 = arith.index_cast %add3A_151 : i32 to index
        %get3A_153 = arith.constant 32 : index
        %get3A_154 = tpu.vector_load %arg5[%get3A_152, %get3A_153] {strides = array<i32>} : memref<64x128xi32, #tpu.memory_space<vmem>>, vector<16xi32>,
        %mul3A_155 = arith.constant 2 : i32
        %mul3A_156 = arith.muli %scan3A_134, %mul3A_155 : i32
        %add3A_157 = arith.constant 0 : i32
        %add3A_158 = arith.addi %mul3A_156, %add3A_157 : i32
        %get3A_159 = arith.index_cast %add3A_158 : i32 to index
        %get3A_160 = arith.constant 48 : index
        %get3A_161 = tpu.vector_load %arg5[%get3A_159, %get3A_160] {strides = array<i32>} : memref<64x128xi32, #tpu.memory_space<vmem>>, vector<16xi32>,
        %mul3A_162 = arith.constant 2 : i32
        %mul3A_163 = arith.muli %scan3A_134, %mul3A_162 : i32
        %add3A_164 = arith.constant 0 : i32
        %add3A_165 = arith.addi %mul3A_163, %add3A_164 : i32
        %get3A_166 = arith.index_cast %add3A_165 : i32 to index
        %get3A_167 = arith.constant 64 : index
        %get3A_168 = tpu.vector_load %arg5[%get3A_166, %get3A_167] {strides = array<i32>} : memref<64x128xi32, #tpu.memory_space<vmem>>, vector<16xi32>,
        %mul3A_169 = arith.constant 2 : i32
        %mul3A_170 = arith.muli %scan3A_134, %mul3A_169 : i32
        %add3A_171 = arith.constant 0 : i32
        %add3A_172 = arith.addi %mul3A_170, %add3A_171 : i32
        %get3A_173 = arith.index_cast %add3A_172 : i32 to index
        %get3A_174 = arith.constant 80 : index
        %get3A_175 = tpu.vector_load %arg5[%get3A_173, %get3A_174] {strides = array<i32>} : memref<64x128xi32, #tpu.memory_space<vmem>>, vector<16xi32>,
        %mul3A_176 = arith.constant 2 : i32
        %mul3A_177 = arith.muli %scan3A_134, %mul3A_176 : i32
        %add3A_178 = arith.constant 0 : i32
        %add3A_179 = arith.addi %mul3A_177, %add3A_178 : i32
        %get3A_180 = arith.index_cast %add3A_179 : i32 to index
        %get3A_181 = arith.constant 96 : index
        %get3A_182 = tpu.vector_load %arg5[%get3A_180, %get3A_181] {strides = array<i32>} : memref<64x128xi32, #tpu.memory_space<vmem>>, vector<16xi32>,
        %mul3A_183 = arith.constant 2 : i32
        %mul3A_184 = arith.muli %scan3A_134, %mul3A_183 : i32
        %add3A_185 = arith.constant 0 : i32
        %add3A_186 = arith.addi %mul3A_184, %add3A_185 : i32
        %get3A_187 = arith.index_cast %add3A_186 : i32 to index
        %get3A_188 = arith.constant 112 : index
        %get3A_189 = tpu.vector_load %arg5[%get3A_187, %get3A_188] {strides = array<i32>} : memref<64x128xi32, #tpu.memory_space<vmem>>, vector<16xi32>,
        %mul3A_190 = arith.constant 2 : i32
        %mul3A_191 = arith.muli %scan3A_134, %mul3A_190 : i32
        %add3A_192 = arith.constant 1 : i32
        %add3A_193 = arith.addi %mul3A_191, %add3A_192 : i32
        %get3A_194 = arith.index_cast %add3A_193 : i32 to index
        %get3A_195 = arith.constant 0 : index
        %get3A_196 = tpu.vector_load %arg5[%get3A_194, %get3A_195] {strides = array<i32>} : memref<64x128xi32, #tpu.memory_space<vmem>>, vector<16xi32>,
        %mul3A_197 = arith.constant 2 : i32
        %mul3A_198 = arith.muli %scan3A_134, %mul3A_197 : i32
        %add3A_199 = arith.constant 1 : i32
        %add3A_200 = arith.addi %mul3A_198, %add3A_199 : i32
        %get3A_201 = arith.index_cast %add3A_200 : i32 to index
        %get3A_202 = arith.constant 16 : index
        %get3A_203 = tpu.vector_load %arg5[%get3A_201, %get3A_202] {strides = array<i32>} : memref<64x128xi32, #tpu.memory_space<vmem>>, vector<16xi32>,
        %mul3A_204 = arith.constant 2 : i32
        %mul3A_205 = arith.muli %scan3A_134, %mul3A_204 : i32
        %add3A_206 = arith.constant 1 : i32
        %add3A_207 = arith.addi %mul3A_205, %add3A_206 : i32
        %get3A_208 = arith.index_cast %add3A_207 : i32 to index
        %get3A_209 = arith.constant 32 : index
        %get3A_210 = tpu.vector_load %arg5[%get3A_208, %get3A_209] {strides = array<i32>} : memref<64x128xi32, #tpu.memory_space<vmem>>, vector<16xi32>,
        %mul3A_211 = arith.constant 2 : i32
        %mul3A_212 = arith.muli %scan3A_134, %mul3A_211 : i32
        %add3A_213 = arith.constant 1 : i32
        %add3A_214 = arith.addi %mul3A_212, %add3A_213 : i32
        %get3A_215 = arith.index_cast %add3A_214 : i32 to index
        %get3A_216 = arith.constant 48 : index
        %get3A_217 = tpu.vector_load %arg5[%get3A_215, %get3A_216] {strides = array<i32>} : memref<64x128xi32, #tpu.memory_space<vmem>>, vector<16xi32>,
        %mul3A_218 = arith.constant 2 : i32
        %mul3A_219 = arith.muli %scan3A_134, %mul3A_218 : i32
        %add3A_220 = arith.constant 1 : i32
        %add3A_221 = arith.addi %mul3A_219, %add3A_220 : i32
        %get3A_222 = arith.index_cast %add3A_221 : i32 to index
        %get3A_223 = arith.constant 64 : index
        %get3A_224 = tpu.vector_load %arg5[%get3A_222, %get3A_223] {strides = array<i32>} : memref<64x128xi32, #tpu.memory_space<vmem>>, vector<16xi32>,
        %mul3A_225 = arith.constant 2 : i32
        %mul3A_226 = arith.muli %scan3A_134, %mul3A_225 : i32
        %add3A_227 = arith.constant 1 : i32
        %add3A_228 = arith.addi %mul3A_226, %add3A_227 : i32
        %get3A_229 = arith.index_cast %add3A_228 : i32 to index
        %get3A_230 = arith.constant 80 : index
        %get3A_231 = tpu.vector_load %arg5[%get3A_229, %get3A_230] {strides = array<i32>} : memref<64x128xi32, #tpu.memory_space<vmem>>, vector<16xi32>,
        %mul3A_232 = arith.constant 2 : i32
        %mul3A_233 = arith.muli %scan3A_134, %mul3A_232 : i32
        %add3A_234 = arith.constant 1 : i32
        %add3A_235 = arith.addi %mul3A_233, %add3A_234 : i32
        %get3A_236 = arith.index_cast %add3A_235 : i32 to index
        %get3A_237 = arith.constant 96 : index
        %get3A_238 = tpu.vector_load %arg5[%get3A_236, %get3A_237] {strides = array<i32>} : memref<64x128xi32, #tpu.memory_space<vmem>>, vector<16xi32>,
        %mul3A_239 = arith.constant 2 : i32
        %mul3A_240 = arith.muli %scan3A_134, %mul3A_239 : i32
        %add3A_241 = arith.constant 1 : i32
        %add3A_242 = arith.addi %mul3A_240, %add3A_241 : i32
        %get3A_243 = arith.index_cast %add3A_242 : i32 to index
        %get3A_244 = arith.constant 112 : index
        %get3A_245 = tpu.vector_load %arg5[%get3A_243, %get3A_244] {strides = array<i32>} : memref<64x128xi32, #tpu.memory_space<vmem>>, vector<16xi32>,
        tpu.vector_store_idx %arg6[%iota3A, %get3A_140], %broadcast_in_dim3A_3 {add = true} : memref<16x4099xf32, #tpu.memory_space<vmem>>[vector<16xi32>, vector<16xi32>], vector<16xf32>,
        tpu.vector_store_idx %arg6[%iota3A, %get3A_147], %broadcast_in_dim3A_3 {add = true} : memref<16x4099xf32, #tpu.memory_space<vmem>>[vector<16xi32>, vector<16xi32>], vector<16xf32>,
        tpu.vector_store_idx %arg6[%iota3A, %get3A_154], %broadcast_in_dim3A_3 {add = true} : memref<16x4099xf32, #tpu.memory_space<vmem>>[vector<16xi32>, vector<16xi32>], vector<16xf32>,
        tpu.vector_store_idx %arg6[%iota3A, %get3A_161], %broadcast_in_dim3A_3 {add = true} : memref<16x4099xf32, #tpu.memory_space<vmem>>[vector<16xi32>, vector<16xi32>], vector<16xf32>,
        tpu.vector_store_idx %arg6[%iota3A, %get3A_168], %broadcast_in_dim3A_3 {add = true} : memref<16x4099xf32, #tpu.memory_space<vmem>>[vector<16xi32>, vector<16xi32>], vector<16xf32>,
        tpu.vector_store_idx %arg6[%iota3A, %get3A_175], %broadcast_in_dim3A_3 {add = true} : memref<16x4099xf32, #tpu.memory_space<vmem>>[vector<16xi32>, vector<16xi32>], vector<16xf32>,
        tpu.vector_store_idx %arg6[%iota3A, %get3A_182], %broadcast_in_dim3A_3 {add = true} : memref<16x4099xf32, #tpu.memory_space<vmem>>[vector<16xi32>, vector<16xi32>], vector<16xf32>,
        tpu.vector_store_idx %arg6[%iota3A, %get3A_189], %broadcast_in_dim3A_3 {add = true} : memref<16x4099xf32, #tpu.memory_space<vmem>>[vector<16xi32>, vector<16xi32>], vector<16xf32>,
        tpu.vector_store_idx %arg6[%iota3A, %get3A_196], %broadcast_in_dim3A_3 {add = true} : memref<16x4099xf32, #tpu.memory_space<vmem>>[vector<16xi32>, vector<16xi32>], vector<16xf32>,
        tpu.vector_store_idx %arg6[%iota3A, %get3A_203], %broadcast_in_dim3A_3 {add = true} : memref<16x4099xf32, #tpu.memory_space<vmem>>[vector<16xi32>, vector<16xi32>], vector<16xf32>,
        tpu.vector_store_idx %arg6[%iota3A, %get3A_210], %broadcast_in_dim3A_3 {add = true} : memref<16x4099xf32, #tpu.memory_space<vmem>>[vector<16xi32>, vector<16xi32>], vector<16xf32>,
        tpu.vector_store_idx %arg6[%iota3A, %get3A_217], %broadcast_in_dim3A_3 {add = true} : memref<16x4099xf32, #tpu.memory_space<vmem>>[vector<16xi32>, vector<16xi32>], vector<16xf32>,
        tpu.vector_store_idx %arg6[%iota3A, %get3A_224], %broadcast_in_dim3A_3 {add = true} : memref<16x4099xf32, #tpu.memory_space<vmem>>[vector<16xi32>, vector<16xi32>], vector<16xf32>,
        tpu.vector_store_idx %arg6[%iota3A, %get3A_231], %broadcast_in_dim3A_3 {add = true} : memref<16x4099xf32, #tpu.memory_space<vmem>>[vector<16xi32>, vector<16xi32>], vector<16xf32>,
        tpu.vector_store_idx %arg6[%iota3A, %get3A_238], %broadcast_in_dim3A_3 {add = true} : memref<16x4099xf32, #tpu.memory_space<vmem>>[vector<16xi32>, vector<16xi32>], vector<16xf32>,
        tpu.vector_store_idx %arg6[%iota3A, %get3A_245], %broadcast_in_dim3A_3 {add = true} : memref<16x4099xf32, #tpu.memory_space<vmem>>[vector<16xi32>, vector<16xi32>], vector<16xf32>,
      }
      %scan3A_133 = arith.constant 32 : i32
    }
    %scan3A_84 = arith.constant 8 : i32
    %dma_wait3A = arith.constant 0 : i32
    %dma_wait3A_85 = arith.constant 0 : i32
    %dma_wait3A_86 = tpu.memref_slice %arg2[%dma_wait3A, %dma_wait3A_85] : memref<32768x128xi32, #tpu.memory_space<hbm>> -> memref<64x128xi32, #tpu.memory_space<hbm>>
    %dma_wait3A_87 = arith.constant 0 : i32
    %dma_wait3A_88 = arith.constant 0 : i32
    %dma_wait3A_89 = tpu.memref_slice %arg2[%dma_wait3A_87, %dma_wait3A_88] : memref<32768x128xi32, #tpu.memory_space<hbm>> -> memref<64x128xi32, #tpu.memory_space<hbm>>
    tpu.wait_dma2 semaphore(%arg7 : memref<!tpu.dma_semaphore, #tpu.memory_space<semaphore_mem>>) src(%dma_wait3A_89 : memref<64x128xi32, #tpu.memory_space<hbm>>) dst(%arg4 : memref<64x128xi32, #tpu.memory_space<vmem>>)
    "tpu.region"() ({
      %run_scoped3A = tpu.sem_alloc : memref<!tpu.dma_semaphore, #tpu.memory_space<semaphore_mem>>
      %dma_start3A_90 = arith.constant 0 : i32
      %dma_start3A_91 = arith.constant 0 : i32
      %dma_start3A_92 = tpu.memref_slice %arg3[%add3A, %dma_start3A_90, %dma_start3A_91] : memref<32x16x4099xf32, #tpu.memory_space<hbm>> -> memref<1x16x4099xf32, #tpu.memory_space<hbm>>
      %dma_start3A_93 = tpu.memref_squeeze %dma_start3A_92 : memref<1x16x4099xf32, #tpu.memory_space<hbm>> -> memref<16x4099xf32, #tpu.memory_space<hbm>>
      %dma_start3A_94 = arith.constant 0 : i32
      %dma_start3A_95 = arith.constant 0 : i32
      %dma_start3A_96 = tpu.memref_slice %arg3[%add3A, %dma_start3A_94, %dma_start3A_95] : memref<32x16x4099xf32, #tpu.memory_space<hbm>> -> memref<1x16x4099xf32, #tpu.memory_space<hbm>>
      %dma_start3A_97 = tpu.memref_squeeze %dma_start3A_96 : memref<1x16x4099xf32, #tpu.memory_space<hbm>> -> memref<16x4099xf32, #tpu.memory_space<hbm>>
      tpu.enqueue_dma source(%arg6 : memref<16x4099xf32, #tpu.memory_space<vmem>>) target(%dma_start3A_97 : memref<16x4099xf32, #tpu.memory_space<hbm>>) target_semaphore(%run_scoped3A : memref<!tpu.dma_semaphore, #tpu.memory_space<semaphore_mem>>)
      %dma_wait3A_98 = arith.constant 0 : i32
      %dma_wait3A_99 = arith.constant 0 : i32
      %dma_wait3A_100 = tpu.memref_slice %arg3[%add3A, %dma_wait3A_98, %dma_wait3A_99] : memref<32x16x4099xf32, #tpu.memory_space<hbm>> -> memref<1x16x4099xf32, #tpu.memory_space<hbm>>
      %dma_wait3A_101 = tpu.memref_squeeze %dma_wait3A_100 : memref<1x16x4099xf32, #tpu.memory_space<hbm>> -> memref<16x4099xf32, #tpu.memory_space<hbm>>
      %dma_wait3A_102 = arith.constant 0 : i32
      %dma_wait3A_103 = arith.constant 0 : i32
      %dma_wait3A_104 = tpu.memref_slice %arg3[%add3A, %dma_wait3A_102, %dma_wait3A_103] : memref<32x16x4099xf32, #tpu.memory_space<hbm>> -> memref<1x16x4099xf32, #tpu.memory_space<hbm>>
      %dma_wait3A_105 = tpu.memref_squeeze %dma_wait3A_104 : memref<1x16x4099xf32, #tpu.memory_space<hbm>> -> memref<16x4099xf32, #tpu.memory_space<hbm>>
      tpu.wait_dma2 semaphore(%run_scoped3A : memref<!tpu.dma_semaphore, #tpu.memory_space<semaphore_mem>>) src(%arg6 : memref<16x4099xf32, #tpu.memory_space<vmem>>) dst(%dma_wait3A_105 : memref<16x4099xf32, #tpu.memory_space<hbm>>)
      tpu.yield
    }) : () -> ()
    return
  }
}

module attributes {stable_mosaic.version = 14 : i64} {
  func.func @_tc_pack(%arg0: i32, %arg1: memref<1x512x512xf32, #tpu.memory_space<vmem>>, %arg2: memref<1x512x512xi32, #tpu.memory_space<vmem>>, %arg3: memref<2048x128xi32, #tpu.memory_space<vmem>>) attributes {dimension_semantics = [#tpu.dimension_semantics<arbitrary>], iteration_bounds = array<i64: 16>, scalar_prefetch = 0 : i64, scratch_operands = 0 : i64, tpu.core_type = #tpu.core_type<tc>, window_params = [{transform_indices = @transform_0, window_bounds = array<i64: 1, 512, 512>}, {transform_indices = @transform_1, window_bounds = array<i64: 1, 512, 512>}, {transform_indices = @transform_2, window_bounds = array<i64: 2048, 128>}]} {
    %get3A = arith.constant 0 : index
    %get3A_0 = arith.constant 0 : index
    %get3A_1 = arith.constant 0 : index
    %get3A_2 = vector.load %arg1[%get3A, %get3A_0, %get3A_1] : memref<1x512x512xf32, #tpu.memory_space<vmem>>, vector<1x512x512xf32>
    %get3A_3 = arith.constant 0 : index
    %get3A_4 = arith.constant 0 : index
    %get3A_5 = arith.constant 0 : index
    %get3A_6 = vector.load %arg2[%get3A_3, %get3A_4, %get3A_5] : memref<1x512x512xi32, #tpu.memory_space<vmem>>, vector<1x512x512xi32>
    %gt3A = arith.constant 0 : i32
    %gt3A_7 = vector.broadcast %gt3A : i32 to vector<1x512x512xi32>
    %gt3A_8 = arith.cmpi sgt, %get3A_6, %gt3A_7 : vector<1x512x512xi32>
    %sub3A = arith.constant 1.000000e+00 : f32
    %sub3A_9 = vector.broadcast %sub3A : f32 to vector<1x512x512xf32>
    %sub3A_10 = arith.subf %sub3A_9, %get3A_2 : vector<1x512x512xf32>
    %add3A = arith.constant 1.000000e+00 : f32
    %add3A_11 = vector.broadcast %add3A : f32 to vector<1x512x512xf32>
    %add3A_12 = arith.addf %add3A_11, %get3A_2 : vector<1x512x512xf32>
    %select_n3A = arith.select %gt3A_8, %sub3A_10, %add3A_12 : vector<1x512x512xi1>, vector<1x512x512xf32>
    %mul3A = arith.constant 1.280000e+02 : f32
    %mul3A_13 = vector.broadcast %mul3A : f32 to vector<1x512x512xf32>
    %mul3A_14 = arith.mulf %select_n3A, %mul3A_13 : vector<1x512x512xf32>
    %min3A = arith.constant 2.047000e+03 : f32
    %min3A_15 = vector.broadcast %min3A : f32 to vector<1x512x512xf32>
    %min3A_16 = arith.minimumf %mul3A_14, %min3A_15 : vector<1x512x512xf32>
    %convert_element_type3A = arith.fptosi %min3A_16 : vector<1x512x512xf32> to vector<1x512x512xi32>
    %gt3A_17 = arith.constant 0.000000e+00 : f32
    %gt3A_18 = vector.broadcast %gt3A_17 : f32 to vector<1x512x512xf32>
    %gt3A_19 = arith.cmpf ogt, %select_n3A, %gt3A_18 : vector<1x512x512xf32>
    %jit3A = arith.constant 2048 : i32
    %broadcast_in_dim3A = vector.broadcast %jit3A : i32 to vector<1x512x512xi32>
    %select_n3A_20 = arith.select %gt3A_19, %convert_element_type3A, %broadcast_in_dim3A : vector<1x512x512xi1>, vector<1x512x512xi32>
    %mul3A_21 = arith.constant 2049 : i32
    %mul3A_22 = vector.broadcast %mul3A_21 : i32 to vector<1x512x512xi32>
    %mul3A_23 = arith.muli %get3A_6, %mul3A_22 : vector<1x512x512xi32>
    %add3A_24 = arith.addi %mul3A_23, %select_n3A_20 : vector<1x512x512xi32>
    %reshape3A = vector.shape_cast %add3A_24 : vector<1x512x512xi32> to vector<2048x128xi32>
    %swap3A = arith.constant 0 : index
    %swap3A_25 = arith.constant 0 : index
    %swap3A_26 = vector.load %arg3[%swap3A, %swap3A_25] : memref<2048x128xi32, #tpu.memory_space<vmem>>, vector<2048x128xi32>
    tpu.vector_store %arg3[%swap3A, %swap3A_25], %reshape3A {strides = array<i32>} : memref<2048x128xi32, #tpu.memory_space<vmem>>, vector<2048x128xi32>,
    return
  }
  func.func @transform_0(%arg0: i32) -> (i32, i32, i32) {
    %c0_i32 = arith.constant 0 : i32
    %c0_i32_0 = arith.constant 0 : i32
    %c0_i32_1 = arith.constant 0 : i32
    return %arg0, %c0_i32, %c0_i32_0 : i32, i32, i32
  }
  func.func @transform_1(%arg0: i32) -> (i32, i32, i32) {
    %c0_i32 = arith.constant 0 : i32
    %c0_i32_0 = arith.constant 0 : i32
    %c0_i32_1 = arith.constant 0 : i32
    return %arg0, %c0_i32, %c0_i32_0 : i32, i32, i32
  }
  func.func @transform_2(%arg0: i32) -> (i32, i32) {
    %c0_i32 = arith.constant 0 : i32
    %c0_i32_0 = arith.constant 0 : i32
    return %arg0, %c0_i32 : i32, i32
  }
}

module attributes {stable_mosaic.version = 14 : i64} {
  func.func @_tc_final(%arg0: memref<512x4099xf32, #tpu.memory_space<vmem>>, %arg1: memref<1x1xf32, #tpu.memory_space<vmem>>) attributes {dimension_semantics = [], scalar_prefetch = 0 : i64, scratch_operands = 0 : i64, tpu.core_type = #tpu.core_type<tc>} {
    %get3A = arith.constant 0 : index
    %get3A_0 = arith.constant 0 : index
    %get3A_1 = vector.load %arg0[%get3A, %get3A_0] : memref<512x4099xf32, #tpu.memory_space<vmem>>, vector<512x4099xf32>
    %reduce_sum3A = arith.constant dense<0.000000e+00> : vector<4099xf32>
    %reduce_sum3A_2 = vector.multi_reduction <add>, %get3A_1, %reduce_sum3A [0] : vector<512x4099xf32> to vector<4099xf32>
    %broadcast_in_dim3A = vector.shape_cast %reduce_sum3A_2 : vector<4099xf32> to vector<1x4099xf32>
    %slice3A = vector.extract_strided_slice %broadcast_in_dim3A {offsets = [0, 0], sizes = [1, 2048], strides = [1, 1]} : vector<1x4099xf32> to vector<1x2048xf32>
    %slice3A_3 = vector.extract_strided_slice %broadcast_in_dim3A {offsets = [0, 2049], sizes = [1, 2048], strides = [1, 1]} : vector<1x4099xf32> to vector<1x2048xf32>
    %slice3A_4 = vector.extract_strided_slice %broadcast_in_dim3A {offsets = [0, 2049], sizes = [1, 2049], strides = [1, 1]} : vector<1x4099xf32> to vector<1x2049xf32>
    %reduce_sum3A_5 = vector.shape_cast %slice3A_4 : vector<1x2049xf32> to vector<1x1x2049xf32>
    %reduce_sum3A_6 = arith.constant dense<0.000000e+00> : vector<1xf32>
    %reduce_sum3A_7 = vector.multi_reduction <add>, %reduce_sum3A_5, %reduce_sum3A_6 [1, 2] : vector<1x1x2049xf32> to vector<1xf32>
    %reduce_sum3A_8 = vector.shape_cast %reduce_sum3A_7 : vector<1xf32> to vector<1x1x1xf32>
    %reduce_sum3A_9 = vector.extract %reduce_sum3A_8[0, 0, 0] : f32 from vector<1x1x1xf32>
    %reduce_sum3A_10 = vector.shape_cast %slice3A : vector<1x2048xf32> to vector<1x1x2048xf32>
    %reduce_sum3A_11 = arith.constant dense<0.000000e+00> : vector<1xf32>
    %reduce_sum3A_12 = vector.multi_reduction <add>, %reduce_sum3A_10, %reduce_sum3A_11 [1, 2] : vector<1x1x2048xf32> to vector<1xf32>
    %reduce_sum3A_13 = vector.shape_cast %reduce_sum3A_12 : vector<1xf32> to vector<1x1x1xf32>
    %reduce_sum3A_14 = vector.extract %reduce_sum3A_13[0, 0, 0] : f32 from vector<1x1x1xf32>
    %reduce_sum3A_15 = vector.shape_cast %slice3A_3 : vector<1x2048xf32> to vector<1x1x2048xf32>
    %reduce_sum3A_16 = arith.constant dense<0.000000e+00> : vector<1xf32>
    %reduce_sum3A_17 = vector.multi_reduction <add>, %reduce_sum3A_15, %reduce_sum3A_16 [1, 2] : vector<1x1x2048xf32> to vector<1xf32>
    %reduce_sum3A_18 = vector.shape_cast %reduce_sum3A_17 : vector<1xf32> to vector<1x1x1xf32>
    %reduce_sum3A_19 = vector.extract %reduce_sum3A_18[0, 0, 0] : f32 from vector<1x1x1xf32>
    %iota3A = tpu.iota {dimensions = array<i32: 1>} : vector<1x2048xi32>
    %convert_element_type3A = arith.sitofp %iota3A : vector<1x2048xi32> to vector<1x2048xf32>
    %add3A = arith.constant 5.000000e-01 : f32
    %add3A_20 = vector.broadcast %add3A : f32 to vector<1x2048xf32>
    %add3A_21 = arith.addf %convert_element_type3A, %add3A_20 : vector<1x2048xf32>
    %div3A = arith.constant 1.280000e+02 : f32
    %div3A_22 = vector.broadcast %div3A : f32 to vector<1x2048xf32>
    %div3A_23 = arith.divf %add3A_21, %div3A_22 : vector<1x2048xf32>
    %mul3A = arith.mulf %slice3A, %div3A_23 : vector<1x2048xf32>
    %mul3A_24 = arith.mulf %slice3A_3, %div3A_23 : vector<1x2048xf32>
    %broadcast_in_dim3A_25 = arith.constant 0.000000e+00 : f32
    %broadcast_in_dim3A_26 = vector.broadcast %broadcast_in_dim3A_25 : f32 to vector<1x1xf32>
    %slice3A_27 = vector.extract_strided_slice %slice3A {offsets = [0, 0], sizes = [1, 2047], strides = [1, 1]} : vector<1x2048xf32> to vector<1x2047xf32>
    %concatenate3A = tpu.concatenate %broadcast_in_dim3A_26, %slice3A_27 in 1 : vector<1x1xf32>, vector<1x2047xf32> -> vector<1x2048xf32>
    %add3A_28 = arith.addf %slice3A, %concatenate3A : vector<1x2048xf32>
    %broadcast_in_dim3A_29 = arith.constant 0.000000e+00 : f32
    %broadcast_in_dim3A_30 = vector.broadcast %broadcast_in_dim3A_29 : f32 to vector<1x2xf32>
    %slice3A_31 = vector.extract_strided_slice %add3A_28 {offsets = [0, 0], sizes = [1, 2046], strides = [1, 1]} : vector<1x2048xf32> to vector<1x2046xf32>
    %concatenate3A_32 = tpu.concatenate %broadcast_in_dim3A_30, %slice3A_31 in 1 : vector<1x2xf32>, vector<1x2046xf32> -> vector<1x2048xf32>
    %add3A_33 = arith.addf %add3A_28, %concatenate3A_32 : vector<1x2048xf32>
    %broadcast_in_dim3A_34 = arith.constant 0.000000e+00 : f32
    %broadcast_in_dim3A_35 = vector.broadcast %broadcast_in_dim3A_34 : f32 to vector<1x4xf32>
    %slice3A_36 = vector.extract_strided_slice %add3A_33 {offsets = [0, 0], sizes = [1, 2044], strides = [1, 1]} : vector<1x2048xf32> to vector<1x2044xf32>
    %concatenate3A_37 = tpu.concatenate %broadcast_in_dim3A_35, %slice3A_36 in 1 : vector<1x4xf32>, vector<1x2044xf32> -> vector<1x2048xf32>
    %add3A_38 = arith.addf %add3A_33, %concatenate3A_37 : vector<1x2048xf32>
    %broadcast_in_dim3A_39 = arith.constant 0.000000e+00 : f32
    %broadcast_in_dim3A_40 = vector.broadcast %broadcast_in_dim3A_39 : f32 to vector<1x8xf32>
    %slice3A_41 = vector.extract_strided_slice %add3A_38 {offsets = [0, 0], sizes = [1, 2040], strides = [1, 1]} : vector<1x2048xf32> to vector<1x2040xf32>
    %concatenate3A_42 = tpu.concatenate %broadcast_in_dim3A_40, %slice3A_41 in 1 : vector<1x8xf32>, vector<1x2040xf32> -> vector<1x2048xf32>
    %add3A_43 = arith.addf %add3A_38, %concatenate3A_42 : vector<1x2048xf32>
    %broadcast_in_dim3A_44 = arith.constant 0.000000e+00 : f32
    %broadcast_in_dim3A_45 = vector.broadcast %broadcast_in_dim3A_44 : f32 to vector<1x16xf32>
    %slice3A_46 = vector.extract_strided_slice %add3A_43 {offsets = [0, 0], sizes = [1, 2032], strides = [1, 1]} : vector<1x2048xf32> to vector<1x2032xf32>
    %concatenate3A_47 = tpu.concatenate %broadcast_in_dim3A_45, %slice3A_46 in 1 : vector<1x16xf32>, vector<1x2032xf32> -> vector<1x2048xf32>
    %add3A_48 = arith.addf %add3A_43, %concatenate3A_47 : vector<1x2048xf32>
    %broadcast_in_dim3A_49 = arith.constant 0.000000e+00 : f32
    %broadcast_in_dim3A_50 = vector.broadcast %broadcast_in_dim3A_49 : f32 to vector<1x32xf32>
    %slice3A_51 = vector.extract_strided_slice %add3A_48 {offsets = [0, 0], sizes = [1, 2016], strides = [1, 1]} : vector<1x2048xf32> to vector<1x2016xf32>
    %concatenate3A_52 = tpu.concatenate %broadcast_in_dim3A_50, %slice3A_51 in 1 : vector<1x32xf32>, vector<1x2016xf32> -> vector<1x2048xf32>
    %add3A_53 = arith.addf %add3A_48, %concatenate3A_52 : vector<1x2048xf32>
    %broadcast_in_dim3A_54 = arith.constant 0.000000e+00 : f32
    %broadcast_in_dim3A_55 = vector.broadcast %broadcast_in_dim3A_54 : f32 to vector<1x64xf32>
    %slice3A_56 = vector.extract_strided_slice %add3A_53 {offsets = [0, 0], sizes = [1, 1984], strides = [1, 1]} : vector<1x2048xf32> to vector<1x1984xf32>
    %concatenate3A_57 = tpu.concatenate %broadcast_in_dim3A_55, %slice3A_56 in 1 : vector<1x64xf32>, vector<1x1984xf32> -> vector<1x2048xf32>
    %add3A_58 = arith.addf %add3A_53, %concatenate3A_57 : vector<1x2048xf32>
    %broadcast_in_dim3A_59 = arith.constant 0.000000e+00 : f32
    %broadcast_in_dim3A_60 = vector.broadcast %broadcast_in_dim3A_59 : f32 to vector<1x128xf32>
    %slice3A_61 = vector.extract_strided_slice %add3A_58 {offsets = [0, 0], sizes = [1, 1920], strides = [1, 1]} : vector<1x2048xf32> to vector<1x1920xf32>
    %concatenate3A_62 = tpu.concatenate %broadcast_in_dim3A_60, %slice3A_61 in 1 : vector<1x128xf32>, vector<1x1920xf32> -> vector<1x2048xf32>
    %add3A_63 = arith.addf %add3A_58, %concatenate3A_62 : vector<1x2048xf32>
    %broadcast_in_dim3A_64 = arith.constant 0.000000e+00 : f32
    %broadcast_in_dim3A_65 = vector.broadcast %broadcast_in_dim3A_64 : f32 to vector<1x256xf32>
    %slice3A_66 = vector.extract_strided_slice %add3A_63 {offsets = [0, 0], sizes = [1, 1792], strides = [1, 1]} : vector<1x2048xf32> to vector<1x1792xf32>
    %concatenate3A_67 = tpu.concatenate %broadcast_in_dim3A_65, %slice3A_66 in 1 : vector<1x256xf32>, vector<1x1792xf32> -> vector<1x2048xf32>
    %add3A_68 = arith.addf %add3A_63, %concatenate3A_67 : vector<1x2048xf32>
    %broadcast_in_dim3A_69 = arith.constant 0.000000e+00 : f32
    %broadcast_in_dim3A_70 = vector.broadcast %broadcast_in_dim3A_69 : f32 to vector<1x512xf32>
    %slice3A_71 = vector.extract_strided_slice %add3A_68 {offsets = [0, 0], sizes = [1, 1536], strides = [1, 1]} : vector<1x2048xf32> to vector<1x1536xf32>
    %concatenate3A_72 = tpu.concatenate %broadcast_in_dim3A_70, %slice3A_71 in 1 : vector<1x512xf32>, vector<1x1536xf32> -> vector<1x2048xf32>
    %add3A_73 = arith.addf %add3A_68, %concatenate3A_72 : vector<1x2048xf32>
    %broadcast_in_dim3A_74 = arith.constant 0.000000e+00 : f32
    %broadcast_in_dim3A_75 = vector.broadcast %broadcast_in_dim3A_74 : f32 to vector<1x1024xf32>
    %slice3A_76 = vector.extract_strided_slice %add3A_73 {offsets = [0, 0], sizes = [1, 1024], strides = [1, 1]} : vector<1x2048xf32> to vector<1x1024xf32>
    %concatenate3A_77 = tpu.concatenate %broadcast_in_dim3A_75, %slice3A_76 in 1 : vector<1x1024xf32>, vector<1x1024xf32> -> vector<1x2048xf32>
    %add3A_78 = arith.addf %add3A_73, %concatenate3A_77 : vector<1x2048xf32>
    %sub3A = vector.broadcast %reduce_sum3A_14 : f32 to vector<1x2048xf32>
    %sub3A_79 = arith.subf %sub3A, %add3A_78 : vector<1x2048xf32>
    %broadcast_in_dim3A_80 = arith.constant 0.000000e+00 : f32
    %broadcast_in_dim3A_81 = vector.broadcast %broadcast_in_dim3A_80 : f32 to vector<1x1xf32>
    %slice3A_82 = vector.extract_strided_slice %slice3A_3 {offsets = [0, 0], sizes = [1, 2047], strides = [1, 1]} : vector<1x2048xf32> to vector<1x2047xf32>
    %concatenate3A_83 = tpu.concatenate %broadcast_in_dim3A_81, %slice3A_82 in 1 : vector<1x1xf32>, vector<1x2047xf32> -> vector<1x2048xf32>
    %add3A_84 = arith.addf %slice3A_3, %concatenate3A_83 : vector<1x2048xf32>
    %broadcast_in_dim3A_85 = arith.constant 0.000000e+00 : f32
    %broadcast_in_dim3A_86 = vector.broadcast %broadcast_in_dim3A_85 : f32 to vector<1x2xf32>
    %slice3A_87 = vector.extract_strided_slice %add3A_84 {offsets = [0, 0], sizes = [1, 2046], strides = [1, 1]} : vector<1x2048xf32> to vector<1x2046xf32>
    %concatenate3A_88 = tpu.concatenate %broadcast_in_dim3A_86, %slice3A_87 in 1 : vector<1x2xf32>, vector<1x2046xf32> -> vector<1x2048xf32>
    %add3A_89 = arith.addf %add3A_84, %concatenate3A_88 : vector<1x2048xf32>
    %broadcast_in_dim3A_90 = arith.constant 0.000000e+00 : f32
    %broadcast_in_dim3A_91 = vector.broadcast %broadcast_in_dim3A_90 : f32 to vector<1x4xf32>
    %slice3A_92 = vector.extract_strided_slice %add3A_89 {offsets = [0, 0], sizes = [1, 2044], strides = [1, 1]} : vector<1x2048xf32> to vector<1x2044xf32>
    %concatenate3A_93 = tpu.concatenate %broadcast_in_dim3A_91, %slice3A_92 in 1 : vector<1x4xf32>, vector<1x2044xf32> -> vector<1x2048xf32>
    %add3A_94 = arith.addf %add3A_89, %concatenate3A_93 : vector<1x2048xf32>
    %broadcast_in_dim3A_95 = arith.constant 0.000000e+00 : f32
    %broadcast_in_dim3A_96 = vector.broadcast %broadcast_in_dim3A_95 : f32 to vector<1x8xf32>
    %slice3A_97 = vector.extract_strided_slice %add3A_94 {offsets = [0, 0], sizes = [1, 2040], strides = [1, 1]} : vector<1x2048xf32> to vector<1x2040xf32>
    %concatenate3A_98 = tpu.concatenate %broadcast_in_dim3A_96, %slice3A_97 in 1 : vector<1x8xf32>, vector<1x2040xf32> -> vector<1x2048xf32>
    %add3A_99 = arith.addf %add3A_94, %concatenate3A_98 : vector<1x2048xf32>
    %broadcast_in_dim3A_100 = arith.constant 0.000000e+00 : f32
    %broadcast_in_dim3A_101 = vector.broadcast %broadcast_in_dim3A_100 : f32 to vector<1x16xf32>
    %slice3A_102 = vector.extract_strided_slice %add3A_99 {offsets = [0, 0], sizes = [1, 2032], strides = [1, 1]} : vector<1x2048xf32> to vector<1x2032xf32>
    %concatenate3A_103 = tpu.concatenate %broadcast_in_dim3A_101, %slice3A_102 in 1 : vector<1x16xf32>, vector<1x2032xf32> -> vector<1x2048xf32>
    %add3A_104 = arith.addf %add3A_99, %concatenate3A_103 : vector<1x2048xf32>
    %broadcast_in_dim3A_105 = arith.constant 0.000000e+00 : f32
    %broadcast_in_dim3A_106 = vector.broadcast %broadcast_in_dim3A_105 : f32 to vector<1x32xf32>
    %slice3A_107 = vector.extract_strided_slice %add3A_104 {offsets = [0, 0], sizes = [1, 2016], strides = [1, 1]} : vector<1x2048xf32> to vector<1x2016xf32>
    %concatenate3A_108 = tpu.concatenate %broadcast_in_dim3A_106, %slice3A_107 in 1 : vector<1x32xf32>, vector<1x2016xf32> -> vector<1x2048xf32>
    %add3A_109 = arith.addf %add3A_104, %concatenate3A_108 : vector<1x2048xf32>
    %broadcast_in_dim3A_110 = arith.constant 0.000000e+00 : f32
    %broadcast_in_dim3A_111 = vector.broadcast %broadcast_in_dim3A_110 : f32 to vector<1x64xf32>
    %slice3A_112 = vector.extract_strided_slice %add3A_109 {offsets = [0, 0], sizes = [1, 1984], strides = [1, 1]} : vector<1x2048xf32> to vector<1x1984xf32>
    %concatenate3A_113 = tpu.concatenate %broadcast_in_dim3A_111, %slice3A_112 in 1 : vector<1x64xf32>, vector<1x1984xf32> -> vector<1x2048xf32>
    %add3A_114 = arith.addf %add3A_109, %concatenate3A_113 : vector<1x2048xf32>
    %broadcast_in_dim3A_115 = arith.constant 0.000000e+00 : f32
    %broadcast_in_dim3A_116 = vector.broadcast %broadcast_in_dim3A_115 : f32 to vector<1x128xf32>
    %slice3A_117 = vector.extract_strided_slice %add3A_114 {offsets = [0, 0], sizes = [1, 1920], strides = [1, 1]} : vector<1x2048xf32> to vector<1x1920xf32>
    %concatenate3A_118 = tpu.concatenate %broadcast_in_dim3A_116, %slice3A_117 in 1 : vector<1x128xf32>, vector<1x1920xf32> -> vector<1x2048xf32>
    %add3A_119 = arith.addf %add3A_114, %concatenate3A_118 : vector<1x2048xf32>
    %broadcast_in_dim3A_120 = arith.constant 0.000000e+00 : f32
    %broadcast_in_dim3A_121 = vector.broadcast %broadcast_in_dim3A_120 : f32 to vector<1x256xf32>
    %slice3A_122 = vector.extract_strided_slice %add3A_119 {offsets = [0, 0], sizes = [1, 1792], strides = [1, 1]} : vector<1x2048xf32> to vector<1x1792xf32>
    %concatenate3A_123 = tpu.concatenate %broadcast_in_dim3A_121, %slice3A_122 in 1 : vector<1x256xf32>, vector<1x1792xf32> -> vector<1x2048xf32>
    %add3A_124 = arith.addf %add3A_119, %concatenate3A_123 : vector<1x2048xf32>
    %broadcast_in_dim3A_125 = arith.constant 0.000000e+00 : f32
    %broadcast_in_dim3A_126 = vector.broadcast %broadcast_in_dim3A_125 : f32 to vector<1x512xf32>
    %slice3A_127 = vector.extract_strided_slice %add3A_124 {offsets = [0, 0], sizes = [1, 1536], strides = [1, 1]} : vector<1x2048xf32> to vector<1x1536xf32>
    %concatenate3A_128 = tpu.concatenate %broadcast_in_dim3A_126, %slice3A_127 in 1 : vector<1x512xf32>, vector<1x1536xf32> -> vector<1x2048xf32>
    %add3A_129 = arith.addf %add3A_124, %concatenate3A_128 : vector<1x2048xf32>
    %broadcast_in_dim3A_130 = arith.constant 0.000000e+00 : f32
    %broadcast_in_dim3A_131 = vector.broadcast %broadcast_in_dim3A_130 : f32 to vector<1x1024xf32>
    %slice3A_132 = vector.extract_strided_slice %add3A_129 {offsets = [0, 0], sizes = [1, 1024], strides = [1, 1]} : vector<1x2048xf32> to vector<1x1024xf32>
    %concatenate3A_133 = tpu.concatenate %broadcast_in_dim3A_131, %slice3A_132 in 1 : vector<1x1024xf32>, vector<1x1024xf32> -> vector<1x2048xf32>
    %add3A_134 = arith.addf %add3A_129, %concatenate3A_133 : vector<1x2048xf32>
    %sub3A_135 = vector.broadcast %reduce_sum3A_19 : f32 to vector<1x2048xf32>
    %sub3A_136 = arith.subf %sub3A_135, %add3A_134 : vector<1x2048xf32>
    %add3A_137 = vector.broadcast %reduce_sum3A_9 : f32 to vector<1x2048xf32>
    %add3A_138 = arith.addf %add3A_137, %sub3A_79 : vector<1x2048xf32>
    %mul3A_139 = arith.constant 5.000000e-01 : f32
    %mul3A_140 = vector.broadcast %mul3A_139 : f32 to vector<1x2048xf32>
    %mul3A_141 = arith.mulf %mul3A_140, %slice3A : vector<1x2048xf32>
    %add3A_142 = arith.addf %add3A_138, %mul3A_141 : vector<1x2048xf32>
    %add3A_143 = vector.broadcast %reduce_sum3A_9 : f32 to vector<1x2048xf32>
    %add3A_144 = arith.addf %add3A_143, %sub3A_79 : vector<1x2048xf32>
    %add3A_145 = arith.addf %add3A_144, %slice3A : vector<1x2048xf32>
    %max3A = arith.constant 5.000000e-01 : f32
    %max3A_146 = vector.broadcast %max3A : f32 to vector<1x2048xf32>
    %max3A_147 = arith.maximumf %add3A_142, %max3A_146 : vector<1x2048xf32>
    %div3A_148 = arith.divf %mul3A_24, %max3A_147 : vector<1x2048xf32>
    %sub3A_149 = vector.broadcast %reduce_sum3A_9 : f32 to vector<1x2048xf32>
    %sub3A_150 = arith.subf %sub3A_149, %sub3A_136 : vector<1x2048xf32>
    %mul3A_151 = arith.constant 5.000000e-01 : f32
    %mul3A_152 = vector.broadcast %mul3A_151 : f32 to vector<1x2048xf32>
    %mul3A_153 = arith.mulf %mul3A_152, %slice3A_3 : vector<1x2048xf32>
    %sub3A_154 = arith.subf %sub3A_150, %mul3A_153 : vector<1x2048xf32>
    %mul3A_155 = arith.mulf %mul3A, %sub3A_154 : vector<1x2048xf32>
    %mul3A_156 = arith.mulf %add3A_144, %add3A_145 : vector<1x2048xf32>
    %max3A_157 = arith.constant 5.000000e-01 : f32
    %max3A_158 = vector.broadcast %max3A_157 : f32 to vector<1x2048xf32>
    %max3A_159 = arith.maximumf %mul3A_156, %max3A_158 : vector<1x2048xf32>
    %div3A_160 = arith.divf %mul3A_155, %max3A_159 : vector<1x2048xf32>
    %add3A_161 = arith.addf %div3A_148, %div3A_160 : vector<1x2048xf32>
    %reduce_sum3A_162 = vector.shape_cast %add3A_161 : vector<1x2048xf32> to vector<1x1x2048xf32>
    %reduce_sum3A_163 = arith.constant dense<0.000000e+00> : vector<1xf32>
    %reduce_sum3A_164 = vector.multi_reduction <add>, %reduce_sum3A_162, %reduce_sum3A_163 [1, 2] : vector<1x1x2048xf32> to vector<1xf32>
    %reduce_sum3A_165 = vector.shape_cast %reduce_sum3A_164 : vector<1xf32> to vector<1x1x1xf32>
    %reduce_sum3A_166 = vector.extract %reduce_sum3A_165[0, 0, 0] : f32 from vector<1x1x1xf32>
    %add3A_167 = arith.addf %slice3A, %slice3A_3 : vector<1x2048xf32>
    %gt3A = arith.constant 0.000000e+00 : f32
    %gt3A_168 = vector.broadcast %gt3A : f32 to vector<1x2048xf32>
    %gt3A_169 = arith.cmpf ogt, %add3A_167, %gt3A_168 : vector<1x2048xf32>
    %jit3A = arith.constant 0.000000e+00 : f32
    %broadcast_in_dim3A_170 = vector.broadcast %jit3A : f32 to vector<1x2048xf32>
    %select_n3A = arith.select %gt3A_169, %div3A_23, %broadcast_in_dim3A_170 : vector<1x2048xi1>, vector<1x2048xf32>
    %gt3A_171 = arith.constant 0.000000e+00 : f32
    %gt3A_172 = arith.cmpf ogt, %reduce_sum3A_9, %gt3A_171 : f32
    %reduce_max3A = vector.shape_cast %select_n3A : vector<1x2048xf32> to vector<1x1x2048xf32>
    %reduce_max3A_173 = arith.constant dense<0xFF800000> : vector<1xf32>
    %reduce_max3A_174 = vector.multi_reduction <maximumf>, %reduce_max3A, %reduce_max3A_173 [1, 2] : vector<1x1x2048xf32> to vector<1xf32>
    %reduce_max3A_175 = vector.shape_cast %reduce_max3A_174 : vector<1xf32> to vector<1x1x1xf32>
    %reduce_max3A_176 = vector.extract %reduce_max3A_175[0, 0, 0] : f32 from vector<1x1x1xf32>
    %select_n3A_177 = arith.select %gt3A_172, %reduce_sum3A_166, %reduce_max3A_176 : f32
    %broadcast_in_dim3A_178 = vector.broadcast %select_n3A_177 : f32 to vector<1x1xf32>
    %swap3A = arith.constant 0 : index
    %swap3A_179 = arith.constant 0 : index
    %swap3A_180 = vector.load %arg1[%swap3A, %swap3A_179] : memref<1x1xf32, #tpu.memory_space<vmem>>, vector<1x1xf32>
    tpu.vector_store %arg1[%swap3A, %swap3A_179], %broadcast_in_dim3A_178 {strides = array<i32>} : memref<1x1xf32, #tpu.memory_space<vmem>>, vector<1x1xf32>,
    return
  }
}

</mosaic_0001>

<sc_bundles>
// kernel: kernel.5.cloned.1.call-start
scs
__scs_entry_jumppad:
0x0: {  	(pc) =	sbr.rel $0x88, $3  }
0x1: {  	(tag) =	ssettag $0x0;
	lr =	simm.s32 $0x1  }
0x2: {  	[smem:$0x3F9F] =	sst lr;
	_ =	strace $0xD0000000  }
0x3: {  	_ = 	snop  }
0x4: {  	_ = 	snop  }
0x5: {  	_ = 	snop  }
0x6: {  	_ = 	snop  }
0x7: {  	_ = 	snop  }
__scs_overlays_trampoline_lowered:
0x8: {  	[smem:$0x3FAE] =	sst s0  }
0x9: {  	[smem:$0x3FAF] =	sst s1  }
0xa: {  	[smem:$0x3FB0] =	sst s2  }
0xb: {  	[smem:$0x3FB1] =	sst s3  }
0xc: {  	[smem:$0x3FB2] =	sst s4  }
0xd: {  	[smem:$0x3FB3] =	sst s5  }
0xe: {  	[smem:$0x3FB4] =	sst s6  }
0xf: {  	[smem:$0x3FB5] =	sst s7  }
0x10: {  	[smem:$0x3FB6] =	sst s8  }
0x11: {  	[smem:$0x3FB7] =	sst s9;
	s0 =	simm.s32 @!p0 $0x0  }
0x12: {  	s1 =	sld [smem:$0x3F9D];
	s0 =	simm.s32 @p0 $0x1  }
0x13: {  	[smem:$0x3FB8] =	sst s0;
	s0 =	simm.s32 @!p1 $0x0  }
0x14: {  	s2 =	sld [smem:$0x3F9C];
	s0 =	simm.s32 @p1 $0x1  }
0x15: {  	[smem:$0x3FB9] =	sst s0;
	s0 =	simm.s32 @!p2 $0x0  }
0x16: {  	s3 =	sld [smem:$0x3FDB];
	s0 =	simm.s32 @p2 $0x1  }
0x17: {  	s4 =	simm.s32 $0x1BF5;
	[smem:$0x3FBB] =	sst s0  }
0x18: {  	s0 =	sld [smem:$0x3F9E];
	_ =	swait.ge [sflag:s4], $0x0  }
0x19: {  	s7 =	sld [smem:$0x3F9F]  }
0x1a: {  	s8 =	sadd.s32 $0xFFFFE003, lr  }
0x1b: {  	s9 =	sadd.s32 $0xFFFFFEF7, lr;
	s5 =	simm.s32 $0xFFFFFFFF;
	p2 =	slt.u32 s8, $0xFFFFF086  }
0x1c: {  	p1 =	slt.u32 s9, $0xF7A;
	s5 =	simm.s32 @!p2 $0x0  }
0x1d: {  	s5 =	simm.s32 @p1 $0x1;
	p0 =	seq.s32 s7, s2  }
0x1e: {  	s7 =	smul.u32 @!p0 $0xF7A, s2;
	p2 =	seq.s32 @!p0 s5, $0x0  }
0x1f: {  	s9 =	smul.u32 $0xF7A, s1;
	s8 =	simm.s32 @!p0 $0x1BF5;
	p2 =	por !p2, p0  }
0x20: {  	[sflag:s8] =	ssyncset.s32 @!p0 $0xFFFFF086;
	s6 =	sadd.s32 @!p0 s3, s7;
	s7 =	simm.s32 @!p0 $0x108  }
0x21: {  	s3 =	sadd.s32 s3, s9;
	s6 =	sadd.s32 @!p0 $0x88, s6;
	s7 =	simm.s32 @p2 $0x1082  }
0x22: {  	[simem:s7], [sflag:s8] =	dma.local @!p0 [hbm:s6], $0xF7A  }
0x23: {  	s9 =	sor.u32 $0xD0000000, s2;
	s6 =	simm.s32 $0x108;
	_ =	swait.ge @!p0 [sflag:s8], $0x0  }
0x24: {  	s3 =	sadd.s32 $0x88, s3;
	s6 =	simm.s32 @!p1 $0x1082;
	[sflag:s4] =	ssyncset.s32 $0xFFFFF086  }
0x25: {  	[simem:s6], [sflag:s4] =	dma.local [hbm:s3], $0xF7A  }
0x26: {  	[smem:$0x3F9F] =	sst s1;
	(tag) =	ssettag s2;
	_ =	strace s9  }
0x27: {  	s1 =	sld [smem:$0x3FAF]  }
0x28: {  	s2 =	sld [smem:$0x3FB0]  }
0x29: {  	s4 =	sld [smem:$0x3FB2]  }
0x2a: {  	p0 =	seq.s32 s5, $0x0;
	s5 =	sld [smem:$0x3FB3]  }
0x2b: {  	s6 =	sld [smem:$0x3FB4]  }
0x2c: {  	s7 =	sld [smem:$0x3FB5]  }
0x2d: {  	s3 =	simm.s32 $0x108;
	s8 =	sld [smem:$0x3FB6]  }
0x2e: {  	s3 =	simm.s32 @!p0 $0x1082;
	s9 =	sld [smem:$0x3FB7]  }
0x2f: {  	lr =	sadd.s32 s0, s3;
	s0 =	sld [smem:$0x3FAE]  }
0x30: {  	s3 =	sld [smem:$0x3FB1]  }
0x31: {  	[smem:$0x3FBA] =	sst s10  }
0x32: {  	s10 =	sld [smem:$0x3FB8];
	_ =	sdelay $0x3  }
0x33: {  	p0 =	seq.s32 s10, $0x1;
	s10 =	sld [smem:$0x3FBA];
	_ =	sdelay $0x3  }
0x34: {  	[smem:$0x3FBA] =	sst s10  }
0x35: {  	s10 =	sld [smem:$0x3FB9];
	_ =	sdelay $0x3  }
0x36: {  	p1 =	seq.s32 s10, $0x1;
	s10 =	sld [smem:$0x3FBA];
	_ =	sdelay $0x3  }
0x37: {  	[smem:$0x3FBA] =	sst s10  }
0x38: {  	s10 =	sld [smem:$0x3FBB]  }
0x39: {  	_ = 	snop;
	(pc) =	sbr.ind lr, $3  }
0x3a: {  	_ = 	snop  }
0x3b: {  	_ = 	snop  }
0x3c: {  	p2 =	seq.s32 s10, $0x1;
	s10 =	sld [smem:$0x3FBA]  }
0x3d: {  	_ =	shalt  }
0x3e: {  	_ =	shalt  }
0x3f: {  	_ =	shalt  }
0x40: {  	_ =	shalt  }
0x41: {  	_ =	shalt  }
0x42: {  	_ =	shalt  }
0x43: {  	_ =	shalt  }
0x44: {  	_ =	shalt  }
0x45: {  	_ =	shalt  }
0x46: {  	_ =	shalt  }
0x47: {  	_ =	shalt  }
0x48: {  	_ =	shalt  }
0x49: {  	_ =	shalt  }
0x4a: {  	_ =	shalt  }
0x4b: {  	_ =	shalt  }
0x4c: {  	_ =	shalt  }
0x4d: {  	_ =	shalt  }
0x4e: {  	_ =	shalt  }
0x4f: {  	_ =	shalt  }
0x50: {  	_ =	shalt  }
0x51: {  	_ =	shalt  }
0x52: {  	_ =	shalt  }
0x53: {  	_ =	shalt  }
0x54: {  	_ =	shalt  }
0x55: {  	_ =	shalt  }
0x56: {  	_ =	shalt  }
0x57: {  	_ =	shalt  }
0x58: {  	_ =	shalt  }
0x59: {  	_ =	shalt  }
0x5a: {  	_ =	shalt  }
0x5b: {  	_ =	shalt  }
0x5c: {  	_ =	shalt  }
0x5d: {  	_ =	shalt  }
0x5e: {  	_ =	shalt  }
0x5f: {  	_ =	shalt  }
0x60: {  	_ =	shalt  }
0x61: {  	_ =	shalt  }
0x62: {  	_ =	shalt  }
0x63: {  	_ =	shalt  }
0x64: {  	_ =	shalt  }
0x65: {  	_ =	shalt  }
0x66: {  	_ =	shalt  }
0x67: {  	_ =	shalt  }
0x68: {  	_ =	shalt  }
0x69: {  	_ =	shalt  }
0x6a: {  	_ =	shalt  }
0x6b: {  	_ =	shalt  }
0x6c: {  	_ =	shalt  }
0x6d: {  	_ =	shalt  }
0x6e: {  	_ =	shalt  }
0x6f: {  	_ =	shalt  }
0x70: {  	_ =	shalt  }
0x71: {  	_ =	shalt  }
0x72: {  	_ =	shalt  }
0x73: {  	_ =	shalt  }
0x74: {  	_ =	shalt  }
0x75: {  	_ =	shalt  }
0x76: {  	_ =	shalt  }
0x77: {  	_ =	shalt  }
0x78: {  	_ =	shalt  }
0x79: {  	_ =	shalt  }
0x7a: {  	_ =	shalt  }
0x7b: {  	_ =	shalt  }
0x7c: {  	_ =	shalt  }
0x7d: {  	_ =	shalt  }
0x7e: {  	_ =	shalt  }
0x7f: {  	_ =	shalt  }
0x80: {  	_ =	shalt  }
0x81: {  	_ =	shalt  }
0x82: {  	_ =	shalt  }
0x83: {  	_ =	shalt  }
0x84: {  	_ =	shalt  }
0x85: {  	_ =	shalt  }
0x86: {  	_ =	shalt  }
0x87: {  	_ =	shalt  }
.Lfunc_end0:
.L_simem_size_0:
called_computation_lowered:
.L_overlay_start_0:
0x88: {  	s2 =	sld [smem:$0x3FD9]  }
0x89: {  	s3 =	sld [smem:$0x3FFE];
	_ =	sdelay $0x1  }
0x8a: {  	s1 =	srdreg.scid  }
0x8b: {  	s0 =	sand.u32 $0x1, s1  }
0x8c: {  	s16 =	sshll.u32 s0, $0xA;
	s2 =	sadd.s32 s3, s2  }
0x8d: {  	s2 =	sadd.s32 s2, s16  }
0x8e: {  	[smem:$0x3FC6] =	sst s2  }
0x8f: {  	_ = 	snop  }
0x90: {  	(tm) =	ssettm $0x1  }
0x91: {  	s17 =	sld [smem:$0x3FFB];
	_ =	sdelay $0x3  }
0x92: {  	_ =	strace s17  }
0x93: {  	s2 =	sld [smem:$0x3FFC];
	_ =	sdelay $0x3  }
0x94: {  	_ =	strace s2  }
0x95: {  	s2 =	sld [smem:$0x3FFD];
	_ =	sdelay $0x3  }
0x96: {  	_ =	strace s2  }
0x97: {  	_ =	strace $0x8FFFFFFF  }
0x98: {  	s18 =	sld [smem:$0x3FDB];
	_ =	sdelay $0x1  }
0x99: {  	s19 =	simm.s32 $_scs_section_size  }
0x9a: {  	s4 =	simm.s32 $_size__tile_overlayer_lowered;
	s5 =	simm.s32 $_tile_overlayer_lowered  }
0x9b: {  	s22 =	simm.s32 $0x1BFF;
	s21 =	sshll.u32 s5, $0x1;
	s2 =	sadd.s32 s19, s18  }
0x9c: {  	s6 =	simm.s32 $0x0;
	s20 =	sshll.u32 s4, $0x1;
	s4 =	sadd.s32 s21, s2  }
0x9d: {  	[timem:s6], [sflag:s22] =	dma.local [hbm:s4], s20  }
0x9e: {  	_ =	swait.ge [sflag:s22], s20  }
0x9f: {  	s3 =	ssub.s32 $0x0, s20;
	[sflag:s22] =	ssyncset.done $0x0  }
0xa0: {  	[sflag:s22] =	ssyncadd.s32 s3;
	_ =	sdelay $0x1  }
0xa1: {  	s23 =	simm.s32 $0x1B8B  }
0xa2: {  	_ =	swait.ge [sflag:s23], $0x1  }
0xa3: {  	[sflag:s23] =	ssyncset.done $0x0  }
0xa4: {  	s25 =	simm.s32 $0x1B8E;
	s24 =	sld [smem:$0x3FFE];
	[sflag:s23] =	ssyncadd.s32 $0xFFFFFFFF  }
0xa5: {  	s26 =	simm.s32 $execute0_lowered;
	[smem:$0x3FD2] =	sst s25  }
0xa6: {  	s4 =	sshll.u32 s26, $0x1;
	_ =	strace $0x80000046;
	[dreg:$0x1] =	wrdreg $0xFFFFFFFF  }
0xa7: {  	s28 =	simm.s32 $_size_execute0_lowered;
	s2 =	sadd.s32 s2, s4;
	[dreg:$0x0] =	wrdreg $0x0  }
0xa8: {  	s4 =	sshll.u32 s28, $0x1;
	[dreg:$0x2] =	wrdreg s2  }
0xa9: {  	[dreg:$0x3] =	wrdreg s4  }
0xaa: {  	[dreg:$0x4] =	wrdreg $0xC0  }
0xab: {  	_ =	task [dreg:s6], $0x5FFFF  }
0xac: {  	[dreg:$0x1] =	wrdreg $0xFFFFFFFF  }
0xad: {  	[dreg:$0x0] =	wrdreg $0x60  }
0xae: {  	[dreg:$0x2] =	wrdreg s24  }
0xaf: {  	[dreg:$0x3] =	wrdreg $0x9  }
0xb0: {  	_ =	task.clear_ibuf [dreg:s6], $0x4FFFF;
	_ =	strace $0x90000046  }
0xb1: {  	s29 =	simm.s32 $0x9;
	_ =	strace $0x80000048  }
0xb2: {  	_ =	swait.ge [sflag:s29], $0x1  }
0xb3: {  	[sflag:s29] =	ssyncadd.s32 $0xFFFFFFFF  }
0xb4: {  	_ =	strace $0x90000048  }
0xb5: {  	_ =	sfence  }
0xb6: {  	s30 =	sld [smem:$0x0];
	_ =	sdelay $0x2  }
0xb7: {  	s31 =	sshll.u32 s1, $0xD;
	s1 =	sshrl.u32 s1, $0x2  }
0xb8: {  	s3 =	sand.u32 $0x4000, s31;
	s1 =	sadd.s32 s1, s30  }
0xb9: {  	s0 =	sor.u32 s3, s0;
	s1 =	sshll.u32 s1, $0x11  }
0xba: {  	s0 =	sor.u32 s1, s0  }
0xbb: {  	s0 =	sadd.s32 $0x8F2B, s0  }
0xbc: {  	[sflag:s0] =	ssyncadd.remote.s32 $0x1  }
0xbd: {  	_ =	sfence.sel $0xFFFF  }
0xbe: {  	[dreg:$0x0] =	wrdreg $0xFFFFFFFF;
	(pc) =	sbr.abs _section_cstart, $3  }
0xbf: {  	[dreg:$0x1] =	wrdreg $0xFFFFFFFF  }
0xc0: {  	_ =	task.clear_ibuf [dreg:s6], $0x2FFFF;
	_ =	strace $0x9FFFFFFF  }
0xc1: {  	(tm) =	ssettm $0x7FFFFFFF  }
tec
execute0_lowered:
.L_overlay_start_1:
0x0: {  	(tag) =	ssettag $0x1  }
0x1: {  	s1 =	srdreg.scid  }
0x2: {  	s0 =	stileid.u32;
	s3 =	rddreg [dreg:$0x0];
	s2 =	simm.s32 $0x0  }
0x3: {  	s8 =	simm.s32 $0x2000;
	s9 =	simm.s32 $0x1;
	s10 =	simm.s32 $0x4000  }
0x4: {  	s11 =	simm.s32 $0x2;
	s12 =	simm.s32 $0x3;
	s13 =	simm.s32 $0x0  }
0x5: {  	s4 =	sand.u32 $0x1, s1;
	s5 =	sshll.u32 s0, $0x1;
	s1 =	rddreg [dreg:$0x1]  }
0x6: {  	[smem:$0x7FF] =	sst s2;
	s5 =	sor.u32 s4, s5;
	s4 =	ssub.s32 $0x2, s4  }
0x7: {  	s6 =	smul.u32 $0x2010, s5;
	s5 =	sshll.u32 s5, $0xE;
	s31 =	sshrl.u32 s4, $0x1  }
0x8: {  	_ =	strace $0x80000047;
	s5 =	sadd.s32 s5, s3;
	s7 =	ssub.s32 s4, s31  }
0x9: {  	v1 =	vlaneseq.u32;
	s6 =	sadd.s32 s6, s3;
	s3 =	sadd.s32 $0x600, s5;
	s4 =	sadd.s32 $0xA00, s5  }
0xa: {  	v0 =	vimm.f32 $0.0e+00;
	v2 =	vimm.f32 $1.000000000e+00;
	v1 =	vmul.u32 $0x1008, v1;
	s5 =	sadd.s32 $0xE00, s5;
	s7 =	smax.u32 s7, $0x1;
	s6 =	sadd.s32 $0x80600, s6  }
.LBB2_1:
0xb: {  	s14 =	simm.s32 $0x0;
	s15 =	simm.s32 $0x40  }
.LBB2_2:
0xc: {  	p0 =	sne.s32 s15, $0x3FC0;
	[tilespmem:s14+$0x13078] =	vst v0  }
0xd: {  	[tilespmem:s14+$0x4000] =	vst v0  }
0xe: {  	[tilespmem:s14+$0x5008] =	vst v0  }
0xf: {  	[tilespmem:s14+$0x6010] =	vst v0  }
0x10: {  	[tilespmem:s14+$0x7018] =	vst v0  }
0x11: {  	[tilespmem:s14+$0x8020] =	vst v0  }
0x12: {  	[tilespmem:s14+$0x9028] =	vst v0  }
0x13: {  	[tilespmem:s14+$0xA030] =	vst v0  }
0x14: {  	[tilespmem:s14+$0xB038] =	vst v0  }
0x15: {  	[tilespmem:s14+$0xC040] =	vst v0  }
0x16: {  	[tilespmem:s14+$0xD048] =	vst v0  }
.Ltmp0:
0x17: {  	[tilespmem:s14+$0xE050] =	vst v0;
	(pc) =	sbr.rel @p0 .LBB2_2-.Ltmp0, $4  }
0x18: {  	[tilespmem:s14+$0xF058] =	vst v0  }
0x19: {  	[tilespmem:s14+$0x10060] =	vst v0  }
0x1a: {  	[tilespmem:s14+$0x11068] =	vst v0  }
0x1b: {  	[tilespmem:s14+$0x12070] =	vst v0;
	s14 =	sshra.s32 s15, $0x2;
	s15 =	sadd.s32 $0x40, s15  }
0x1c: {  	[tilespmem:s14+$0x13078] =	vst v0  }
0x1d: {  	[tilespmem:s14+$0x4000] =	vst v0  }
0x1e: {  	[tilespmem:s14+$0x5008] =	vst v0  }
0x1f: {  	[tilespmem:s14+$0x6010] =	vst v0  }
0x20: {  	[tilespmem:s14+$0x7018] =	vst v0  }
0x21: {  	[tilespmem:s14+$0x8020] =	vst v0  }
0x22: {  	[tilespmem:s14+$0x9028] =	vst v0  }
0x23: {  	[tilespmem:s14+$0xA030] =	vst v0  }
0x24: {  	[tilespmem:s14+$0xB038] =	vst v0  }
0x25: {  	[tilespmem:s14+$0xC040] =	vst v0  }
0x26: {  	[tilespmem:s14+$0xD048] =	vst v0  }
0x27: {  	[tilespmem:s14+$0xE050] =	vst v0  }
0x28: {  	[tilespmem:s14+$0xF058] =	vst v0  }
0x29: {  	[tilespmem:s14+$0x10060] =	vst v0  }
0x2a: {  	[tilespmem:s14+$0x11068] =	vst v0  }
0x2b: {  	[tilespmem:s14+$0x12070] =	vst v0  }
0x2c: {  	[tilespmem:$0x4FF3] =	vst v0  }
0x2d: {  	[tilespmem:$0x5FFB] =	vst v0  }
0x2e: {  	[tilespmem:$0x7003] =	vst v0  }
0x2f: {  	[tilespmem:$0x800B] =	vst v0  }
0x30: {  	[tilespmem:$0x9013] =	vst v0  }
0x31: {  	[tilespmem:$0xA01B] =	vst v0  }
0x32: {  	[tilespmem:$0xB023] =	vst v0  }
0x33: {  	[tilespmem:$0xC02B] =	vst v0  }
0x34: {  	[tilespmem:$0xD033] =	vst v0  }
0x35: {  	[tilespmem:$0xE03B] =	vst v0  }
0x36: {  	[tilespmem:$0xF043] =	vst v0  }
0x37: {  	[tilespmem:$0x1004B] =	vst v0  }
0x38: {  	[tilespmem:$0x11053] =	vst v0  }
0x39: {  	[tilespmem:$0x1205B] =	vst v0  }
0x3a: {  	[tilespmem:$0x13063] =	vst v0  }
0x3b: {  	s14 =	simm.s32 $0x0;
	s15 =	simm.s32 $0x0;
	[tilespmem:$0x1406B] =	vst v0  }
0x3c: {  	[tilespmem:s14], [sflag:$0x1] =	stream.linear.gather [hbm4b:s3+s14], $0x2000, $0x38;
	[tilespmem:$0x14080] =	vst v63  }
.LBB2_4:
0x3d: {  	s16 =	sshll.u32 s15, $0xB  }
0x3e: {  	s16 =	sadd.s32 s16, s4  }
0x3f: {  	[tilespmem:s8], [sflag:$0x2] =	stream.linear.gather [hbm4b:s16+s14], $0x2000, $0x38;
	[tilespmem:$0x14080] =	vst v63  }
0x40: {  	_ =	swait.ge [sflag:s9], $0x2000  }
0x41: {  	[sflag:s9] =	ssyncset.done $0x0  }
0x42: {  	s31 =	simm.s32 $0x0;
	[sflag:s9] =	ssyncadd.s32 $0xFFFFE000  }
0x43: {  	v3 =	vld [tilespmem:s31+$0x60]  }
0x44: {  	v4 =	vld [tilespmem:s31+$0x50]  }
0x45: {  	v5 =	vld [tilespmem:s31+$0x40]  }
0x46: {  	v6 =	vld [tilespmem:s31+$0x30]  }
0x47: {  	v7 =	vld [tilespmem:s31+$0x20]  }
0x48: {  	v8 =	vld [tilespmem:s31+$0x10]  }
0x49: {  	v9 =	vld [tilespmem:s31+$0x0]  }
0x4a: {  	v10 =	vld [tilespmem:s31+$0x70]  }
0x4b: {  	v11 =	vld [tilespmem:s31+$0x80]  }
0x4c: {  	v12 =	vld [tilespmem:s31+$0x90]  }
0x4d: {  	v13 =	vld [tilespmem:s31+$0xA0]  }
0x4e: {  	v14 =	vld [tilespmem:s31+$0xB0];
	v9 =	vadd.s32 v1, v9  }
0x4f: {  	v15 =	vld [tilespmem:s31+$0xC0];
	v8 =	vadd.s32 v1, v8  }
0x50: {  	v16 =	vld [tilespmem:s31+$0xD0];
	v7 =	vadd.s32 v1, v7  }
0x51: {  	v17 =	vld [tilespmem:s31+$0xE0];
	v6 =	vadd.s32 v1, v6  }
0x52: {  	v18 =	vld [tilespmem:s31+$0xF0];
	v5 =	vadd.s32 v1, v5  }
0x53: {  	v4 =	vadd.s32 v1, v4;
	[tilespmem:v9+s10+$0x0] =	vst.idx.add.f32.msk $0xffff, v2  }
0x54: {  	v3 =	vadd.s32 v1, v3;
	[tilespmem:v8+s10+$0x0] =	vst.idx.add.f32.msk $0xffff, v2  }
0x55: {  	v59 =	vadd.s32 v1, v10;
	[tilespmem:v7+s10+$0x0] =	vst.idx.add.f32.msk $0xffff, v2  }
0x56: {  	v60 =	vadd.s32 v1, v11;
	[tilespmem:v6+s10+$0x0] =	vst.idx.add.f32.msk $0xffff, v2  }
0x57: {  	v61 =	vadd.s32 v1, v12;
	[tilespmem:v5+s10+$0x0] =	vst.idx.add.f32.msk $0xffff, v2  }
0x58: {  	v5 =	vadd.s32 v1, v13;
	[tilespmem:v4+s10+$0x0] =	vst.idx.add.f32.msk $0xffff, v2  }
0x59: {  	v4 =	vadd.s32 v1, v14;
	[tilespmem:v3+s10+$0x0] =	vst.idx.add.f32.msk $0xffff, v2  }
0x5a: {  	v3 =	vadd.s32 v1, v15;
	[tilespmem:v59+s10+$0x0] =	vst.idx.add.f32.msk $0xffff, v2  }
0x5b: {  	[tilespmem:v60+s10+$0x0] =	vst.idx.add.f32.msk $0xffff, v2  }
0x5c: {  	[tilespmem:v61+s10+$0x0] =	vst.idx.add.f32.msk $0xffff, v2  }
0x5d: {  	v62 =	vadd.s32 v1, v16;
	[tilespmem:v5+s10+$0x0] =	vst.idx.add.f32.msk $0xffff, v2  }
0x5e: {  	v63 =	vadd.s32 v1, v17;
	[tilespmem:v4+s10+$0x0] =	vst.idx.add.f32.msk $0xffff, v2  }
0x5f: {  	[tilespmem:v3+s10+$0x0] =	vst.idx.add.f32.msk $0xffff, v2;
	v3 =	vadd.s32 v1, v18;
	_ =	sdelay $0x2  }
0x60: {  	[tilespmem:v62+s10+$0x0] =	vst.idx.add.f32.msk $0xffff, v2  }
0x61: {  	s16 =	simm.s32 $0x400;
	[tilespmem:v63+s10+$0x0] =	vst.idx.add.f32.msk $0xffff, v2  }
.LBB2_5:
0x62: {  	s17 =	sshra.s32 s16, $0x2;
	p0 =	sne.s32 s16, $0x7C00;
	s16 =	sadd.s32 $0x400, s16;
	[tilespmem:v3+s10+$0x0] =	vst.idx.add.f32.msk $0xffff, v2  }
0x63: {  	v3 =	vld [tilespmem:s17+$0x60]  }
0x64: {  	v4 =	vld [tilespmem:s17+$0x50]  }
0x65: {  	v5 =	vld [tilespmem:s17+$0x40]  }
0x66: {  	v6 =	vld [tilespmem:s17+$0x30]  }
0x67: {  	v7 =	vld [tilespmem:s17+$0x20]  }
0x68: {  	v8 =	vld [tilespmem:s17+$0x10]  }
0x69: {  	v9 =	vld [tilespmem:s17+$0x0]  }
0x6a: {  	v10 =	vld [tilespmem:s17+$0x70]  }
0x6b: {  	v11 =	vld [tilespmem:s17+$0x80];
	v6 =	vadd.s32 v1, v6  }
0x6c: {  	v5 =	vadd.s32 v1, v5;
	v12 =	vld [tilespmem:s17+$0x90]  }
0x6d: {  	v4 =	vadd.s32 v1, v4;
	v13 =	vld [tilespmem:s17+$0xA0]  }
0x6e: {  	v3 =	vadd.s32 v1, v3;
	v8 =	vadd.s32 v1, v8;
	v14 =	vld [tilespmem:s17+$0xB0];
	v9 =	vadd.s32 v1, v9  }
0x6f: {  	v7 =	vadd.s32 v1, v7;
	v15 =	vld [tilespmem:s17+$0xC0];
	v10 =	vadd.s32 v1, v10  }
0x70: {  	v16 =	vld [tilespmem:s17+$0xD0];
	v11 =	vadd.s32 v1, v11  }
0x71: {  	v17 =	vld [tilespmem:s17+$0xE0];
	v12 =	vadd.s32 v1, v12  }
0x72: {  	v18 =	vld [tilespmem:s17+$0xF0]  }
0x73: {  	[tilespmem:v9+s10+$0x0] =	vst.idx.add.f32.msk $0xffff, v2  }
0x74: {  	[tilespmem:v8+s10+$0x0] =	vst.idx.add.f32.msk $0xffff, v2;
	v8 =	vadd.s32 v1, v13  }
0x75: {  	[tilespmem:v7+s10+$0x0] =	vst.idx.add.f32.msk $0xffff, v2  }
0x76: {  	[tilespmem:v6+s10+$0x0] =	vst.idx.add.f32.msk $0xffff, v2;
	v6 =	vadd.s32 v1, v14  }
0x77: {  	[tilespmem:v5+s10+$0x0] =	vst.idx.add.f32.msk $0xffff, v2  }
0x78: {  	[tilespmem:v4+s10+$0x0] =	vst.idx.add.f32.msk $0xffff, v2;
	v4 =	vadd.s32 v1, v15  }
0x79: {  	[tilespmem:v3+s10+$0x0] =	vst.idx.add.f32.msk $0xffff, v2  }
0x7a: {  	v5 =	vadd.s32 v1, v16;
	[tilespmem:v10+s10+$0x0] =	vst.idx.add.f32.msk $0xffff, v2  }
0x7b: {  	[tilespmem:v11+s10+$0x0] =	vst.idx.add.f32.msk $0xffff, v2  }
0x7c: {  	v7 =	vadd.s32 v1, v17;
	[tilespmem:v12+s10+$0x0] =	vst.idx.add.f32.msk $0xffff, v2  }
.Ltmp1:
0x7d: {  	v3 =	vadd.s32 v1, v18;
	[tilespmem:v8+s10+$0x0] =	vst.idx.add.f32.msk $0xffff, v2;
	(pc) =	sbr.rel @p0 .LBB2_5-.Ltmp1, $4  }
0x7e: {  	[tilespmem:v6+s10+$0x0] =	vst.idx.add.f32.msk $0xffff, v2  }
0x7f: {  	[tilespmem:v4+s10+$0x0] =	vst.idx.add.f32.msk $0xffff, v2  }
0x80: {  	[tilespmem:v5+s10+$0x0] =	vst.idx.add.f32.msk $0xffff, v2  }
0x81: {  	[tilespmem:v7+s10+$0x0] =	vst.idx.add.f32.msk $0xffff, v2  }
0x82: {  	_ = 	snop  }
0x83: {  	s16 =	sshll.u32 s15, $0x1  }
0x84: {  	s16 =	smin.u32 s16, $0xD  }
0x85: {  	s16 =	sshll.u32 s16, $0xA  }
0x86: {  	[tilespmem:v3+s10+$0x0] =	vst.idx.add.f32.msk $0xffff, v2;
	s17 =	simm.s32 $0x0;
	s16 =	sadd.s32 s16, s5  }
0x87: {  	[tilespmem:s17], [sflag:$0x1] =	stream.linear.gather [hbm4b:s16+s17], $0x2000, $0x38;
	[tilespmem:$0x14080] =	vst v63  }
0x88: {  	_ =	swait.ge [sflag:s11], $0x2000  }
0x89: {  	[sflag:s11] =	ssyncset.done $0x0  }
0x8a: {  	s31 =	simm.s32 $0x0;
	[sflag:s11] =	ssyncadd.s32 $0xFFFFE000  }
0x8b: {  	v3 =	vld [tilespmem:s31+$0x2060]  }
0x8c: {  	v4 =	vld [tilespmem:s31+$0x2050]  }
0x8d: {  	v5 =	vld [tilespmem:s31+$0x2040]  }
0x8e: {  	v6 =	vld [tilespmem:s31+$0x2030]  }
0x8f: {  	v7 =	vld [tilespmem:s31+$0x2020]  }
0x90: {  	v8 =	vld [tilespmem:s31+$0x2010]  }
0x91: {  	v9 =	vld [tilespmem:s31+$0x2000]  }
0x92: {  	v10 =	vld [tilespmem:s31+$0x2070]  }
0x93: {  	v11 =	vld [tilespmem:s31+$0x2080]  }
0x94: {  	v12 =	vld [tilespmem:s31+$0x2090]  }
0x95: {  	v13 =	vld [tilespmem:s31+$0x20A0]  }
0x96: {  	v14 =	vld [tilespmem:s31+$0x20B0];
	v9 =	vadd.s32 v1, v9  }
0x97: {  	v15 =	vld [tilespmem:s31+$0x20C0];
	v8 =	vadd.s32 v1, v8  }
0x98: {  	v16 =	vld [tilespmem:s31+$0x20D0];
	v7 =	vadd.s32 v1, v7  }
0x99: {  	v17 =	vld [tilespmem:s31+$0x20E0];
	v6 =	vadd.s32 v1, v6  }
0x9a: {  	v18 =	vld [tilespmem:s31+$0x20F0];
	v5 =	vadd.s32 v1, v5  }
0x9b: {  	v4 =	vadd.s32 v1, v4;
	[tilespmem:v9+s10+$0x0] =	vst.idx.add.f32.msk $0xffff, v2  }
0x9c: {  	v3 =	vadd.s32 v1, v3;
	[tilespmem:v8+s10+$0x0] =	vst.idx.add.f32.msk $0xffff, v2  }
0x9d: {  	v59 =	vadd.s32 v1, v10;
	[tilespmem:v7+s10+$0x0] =	vst.idx.add.f32.msk $0xffff, v2  }
0x9e: {  	v60 =	vadd.s32 v1, v11;
	[tilespmem:v6+s10+$0x0] =	vst.idx.add.f32.msk $0xffff, v2  }
0x9f: {  	v61 =	vadd.s32 v1, v12;
	[tilespmem:v5+s10+$0x0] =	vst.idx.add.f32.msk $0xffff, v2  }
0xa0: {  	v5 =	vadd.s32 v1, v13;
	[tilespmem:v4+s10+$0x0] =	vst.idx.add.f32.msk $0xffff, v2  }
0xa1: {  	v4 =	vadd.s32 v1, v14;
	[tilespmem:v3+s10+$0x0] =	vst.idx.add.f32.msk $0xffff, v2  }
0xa2: {  	v3 =	vadd.s32 v1, v15;
	[tilespmem:v59+s10+$0x0] =	vst.idx.add.f32.msk $0xffff, v2  }
0xa3: {  	[tilespmem:v60+s10+$0x0] =	vst.idx.add.f32.msk $0xffff, v2  }
0xa4: {  	[tilespmem:v61+s10+$0x0] =	vst.idx.add.f32.msk $0xffff, v2  }
0xa5: {  	v62 =	vadd.s32 v1, v16;
	[tilespmem:v5+s10+$0x0] =	vst.idx.add.f32.msk $0xffff, v2  }
0xa6: {  	v63 =	vadd.s32 v1, v17;
	[tilespmem:v4+s10+$0x0] =	vst.idx.add.f32.msk $0xffff, v2  }
0xa7: {  	[tilespmem:v3+s10+$0x0] =	vst.idx.add.f32.msk $0xffff, v2;
	v3 =	vadd.s32 v1, v18;
	_ =	sdelay $0x2  }
0xa8: {  	[tilespmem:v62+s10+$0x0] =	vst.idx.add.f32.msk $0xffff, v2  }
0xa9: {  	s16 =	simm.s32 $0x400;
	[tilespmem:v63+s10+$0x0] =	vst.idx.add.f32.msk $0xffff, v2  }
.LBB2_7:
0xaa: {  	s17 =	sshra.s32 s16, $0x2;
	p0 =	sne.s32 s16, $0x7C00;
	s16 =	sadd.s32 $0x400, s16;
	[tilespmem:v3+s10+$0x0] =	vst.idx.add.f32.msk $0xffff, v2  }
0xab: {  	v3 =	vld [tilespmem:s17+$0x2060]  }
0xac: {  	v4 =	vld [tilespmem:s17+$0x2050]  }
0xad: {  	v5 =	vld [tilespmem:s17+$0x2040]  }
0xae: {  	v6 =	vld [tilespmem:s17+$0x2030]  }
0xaf: {  	v7 =	vld [tilespmem:s17+$0x2020]  }
0xb0: {  	v8 =	vld [tilespmem:s17+$0x2010]  }
0xb1: {  	v9 =	vld [tilespmem:s17+$0x2000]  }
0xb2: {  	v10 =	vld [tilespmem:s17+$0x2070]  }
0xb3: {  	v11 =	vld [tilespmem:s17+$0x2080];
	v6 =	vadd.s32 v1, v6  }
0xb4: {  	v5 =	vadd.s32 v1, v5;
	v12 =	vld [tilespmem:s17+$0x2090]  }
0xb5: {  	v4 =	vadd.s32 v1, v4;
	v13 =	vld [tilespmem:s17+$0x20A0]  }
0xb6: {  	v3 =	vadd.s32 v1, v3;
	v8 =	vadd.s32 v1, v8;
	v14 =	vld [tilespmem:s17+$0x20B0];
	v9 =	vadd.s32 v1, v9  }
0xb7: {  	v7 =	vadd.s32 v1, v7;
	v15 =	vld [tilespmem:s17+$0x20C0];
	v10 =	vadd.s32 v1, v10  }
0xb8: {  	v16 =	vld [tilespmem:s17+$0x20D0];
	v11 =	vadd.s32 v1, v11  }
0xb9: {  	v17 =	vld [tilespmem:s17+$0x20E0];
	v12 =	vadd.s32 v1, v12  }
0xba: {  	v18 =	vld [tilespmem:s17+$0x20F0]  }
0xbb: {  	[tilespmem:v9+s10+$0x0] =	vst.idx.add.f32.msk $0xffff, v2  }
0xbc: {  	[tilespmem:v8+s10+$0x0] =	vst.idx.add.f32.msk $0xffff, v2;
	v8 =	vadd.s32 v1, v13  }
0xbd: {  	[tilespmem:v7+s10+$0x0] =	vst.idx.add.f32.msk $0xffff, v2  }
0xbe: {  	[tilespmem:v6+s10+$0x0] =	vst.idx.add.f32.msk $0xffff, v2;
	v6 =	vadd.s32 v1, v14  }
0xbf: {  	[tilespmem:v5+s10+$0x0] =	vst.idx.add.f32.msk $0xffff, v2  }
0xc0: {  	[tilespmem:v4+s10+$0x0] =	vst.idx.add.f32.msk $0xffff, v2;
	v4 =	vadd.s32 v1, v15  }
0xc1: {  	[tilespmem:v3+s10+$0x0] =	vst.idx.add.f32.msk $0xffff, v2  }
0xc2: {  	v5 =	vadd.s32 v1, v16;
	[tilespmem:v10+s10+$0x0] =	vst.idx.add.f32.msk $0xffff, v2  }
0xc3: {  	[tilespmem:v11+s10+$0x0] =	vst.idx.add.f32.msk $0xffff, v2  }
0xc4: {  	v7 =	vadd.s32 v1, v17;
	[tilespmem:v12+s10+$0x0] =	vst.idx.add.f32.msk $0xffff, v2  }
.Ltmp2:
0xc5: {  	v3 =	vadd.s32 v1, v18;
	[tilespmem:v8+s10+$0x0] =	vst.idx.add.f32.msk $0xffff, v2;
	(pc) =	sbr.rel @p0 .LBB2_7-.Ltmp2, $4  }
0xc6: {  	[tilespmem:v6+s10+$0x0] =	vst.idx.add.f32.msk $0xffff, v2  }
0xc7: {  	[tilespmem:v4+s10+$0x0] =	vst.idx.add.f32.msk $0xffff, v2  }
0xc8: {  	[tilespmem:v5+s10+$0x0] =	vst.idx.add.f32.msk $0xffff, v2  }
0xc9: {  	[tilespmem:v7+s10+$0x0] =	vst.idx.add.f32.msk $0xffff, v2  }
0xca: {  	s15 =	sadd.s32 $0x1, s15  }
0xcb: {  	p0 =	sne.s32 s15, $0x8  }
.Ltmp3:
0xcc: {  	_ = 	snop;
	(pc) =	sbr.rel @p0 .LBB2_4-.Ltmp3, $2  }
0xcd: {  	_ =	sdelay $0x2  }
0xce: {  	[tilespmem:v3+s10+$0x0] =	vst.idx.add.f32.msk $0xffff, v2  }
0xcf: {  	_ =	swait.ge [sflag:s9], $0x2000;
	s13 =	sadd.s32 $0x1, s13  }
0xd0: {  	[sflag:s9] =	ssyncset.done $0x0;
	p0 =	sne.s32 s13, s7  }
.Ltmp4:
0xd1: {  	[sflag:s9] =	ssyncadd.s32 $0xFFFFE000;
	(pc) =	sbr.rel @p0 .LBB2_1-.Ltmp4, $4  }
0xd2: {  	[hbm4b:s6+s2] =	stream.linear.scatter [tilespmem:s10], [sflag:$0x3], $0x10080, $0x38;
	[tilespmem:$0x14080] =	vst v63  }
0xd3: {  	_ =	swait.ge [sflag:s12], $0x10080  }
0xd4: {  	[sflag:s12] =	ssyncset.done $0x0  }
0xd5: {  	[sflag:s12] =	ssyncadd.s32 $0xFFFEFF80  }
0xd6: {  	_ =	sfence.sel $0x180000  }
0xd7: {  	[bflag:$0x0] =	sbarrier.arrive $0xFFFF  }
0xd8: {  	p0 =	sne.s32 s0, $0x0;
	_ =	strace $0x90000047  }
0xd9: {  	s0 =	sadd.s32 @!p0 $0x100000, s1;
	[bflag:$0x2] =	sbarrier.arrive $0xFFFF  }
0xda: {  	[sflag:s0] =	ssyncadd.tile.s32 @!p0 $0x1;
	_ =	shalt  }
.Lfunc_end2:
_tile_overlayer_lowered:
.L_overlay_start_2:
0xdb: {  	(tag) =	ssettag $0x2  }
0xdc: {  	s0 =	rddreg [dreg:$0x0];
	s2 =	stileid.u32  }
0xdd: {  	s1 =	rddreg [dreg:$0x1];
	p0 =	sne.s32 s2, $0x0  }
0xde: {  	s3 =	rddreg [dreg:$0x2];
	[bflag:$0x3] =	sbarrier.arrive $0xFFFF;
	s2 =	simm.s32 @!p0 $0x1C03  }
0xdf: {  	[timem:s3], [sflag:s2] =	dma.local @!p0 [hbm:s0], s1  }
0xe0: {  	s0 =	simm.s32 @!p0 $0x3  }
0xe1: {  	_ =	swait.ge @!p0 [sflag:s0], s1  }
0xe2: {  	s1 =	ssub.s32 @!p0 $0x0, s1;
	[sflag:s0] =	ssyncset.done @!p0 $0x0  }
0xe3: {  	[sflag:s0] =	ssyncadd.s32 @!p0 s1  }
0xe4: {  	[bflag:$0x3] =	sbarrier.arrive $0xFFFF  }
0xe5: {  	_ =	shalt  }

</sc_bundles>
